<compile_context>
chip_gen: v7x
topology: tpu7x:2x2x1
jax: 0.10.2.dev20260603
libtpu: 0.0.44.dev20260713+nightly
codegen_flags: <defaults>
</compile_context>

<pallas_src>
import jax
import jax.numpy as jnp
from jax import lax
from jax.experimental import pallas as pl
from jax.experimental.pallas import tpu as pltpu
from jax.experimental.pallas import tpu_sc as plsc

V = 1000001
D = 32
B = 16384
NC = 2
NS = 16
NW = NC * NS
BPW = B // NW
NBLK = BPW // 128
NBUF = 8


def _body(ctr_hbm, cxt_hbm, yc_hbm, yx_hbm, bc_hbm, bx_hbm,
          ec_out, ex_out, bc_out, bx_out,
          idx_c, idx_x, pages, pages_x, rows, rows_x, bias_c, bias_x,
          sem0, sem1, sem2, sem3):
    wid = lax.axis_index("s") * NC + lax.axis_index("c")
    base = wid * BPW

    pltpu.sync_copy(ctr_hbm.at[pl.ds(base, BPW)], idx_c)
    pltpu.sync_copy(cxt_hbm.at[pl.ds(base, BPW)], idx_x)

    c2 = pltpu.async_copy(bc_hbm.at[idx_c], bias_c, sem2)
    c3 = pltpu.async_copy(bx_hbm.at[idx_x], bias_x, sem3)

    lane = lax.iota(jnp.int32, 16)

    def scalar_at(vref, j):
        grp = vref[pl.ds((j // 16) * 16, 16)]
        return jax.lax.reduce_sum_p.bind(
            jnp.where(lane == (j % 16), grp, 0), axes=(0,))

    def fire(tab_hbm, idx_ref, pg, sem, j):
        i_sc = scalar_at(idx_ref, j)
        page = pl.multiple_of((i_sc // 128) * 128, 128)
        pltpu.async_copy(tab_hbm.at[:, pl.ds(page, 128)],
                         pg.at[j % NBUF], sem)

    for b in range(NBUF):
        fire(yc_hbm, idx_c, pages, sem0, b)
        fire(yx_hbm, idx_x, pages_x, sem1, b)

    def extract(tab_hbm, idx_ref, pg, rw, sem, j):
        pltpu.make_async_copy(tab_hbm.at[:, pl.ds(0, 128)],
                              pg.at[j % NBUF], sem).wait()
        i_sc = scalar_at(idx_ref, j)
        col = lax.rem(i_sc, 128)
        blk = j // 128
        lane_j = lax.rem(j, 128)
        for h in range(2):
            d_vec = lane + 16 * h
            vals = plsc.load_gather(
                pg, [jnp.full((16,), j % NBUF, jnp.int32), d_vec,
                     jnp.full((16,), col, jnp.int32)])
            plsc.store_scatter(
                rw, [jnp.full((16,), blk, jnp.int32), d_vec,
                     jnp.full((16,), lane_j, jnp.int32)], vals)

    def step(j, _):
        extract(yc_hbm, idx_c, pages, rows, sem0, j)
        extract(yx_hbm, idx_x, pages_x, rows_x, sem1, j)

        @pl.when(j + NBUF < BPW)
        def _():
            fire(yc_hbm, idx_c, pages, sem0, j + NBUF)
            fire(yx_hbm, idx_x, pages_x, sem1, j + NBUF)
        return ()

    lax.fori_loop(0, BPW, step, ())
    pltpu.sync_copy(rows, ec_out.at[pl.ds(wid * NBLK, NBLK)])
    pltpu.sync_copy(rows_x, ex_out.at[pl.ds(wid * NBLK, NBLK)])

    c2.wait()
    c3.wait()
    pltpu.sync_copy(bias_c, bc_out.at[pl.ds(base, BPW)])
    pltpu.sync_copy(bias_x, bx_out.at[pl.ds(base, BPW)])


_sc_call = pl.kernel(
    _body,
    out_type=(
        jax.ShapeDtypeStruct((B // 128, D, 128), jnp.float32),
        jax.ShapeDtypeStruct((B // 128, D, 128), jnp.float32),
        jax.ShapeDtypeStruct((B,), jnp.float32),
        jax.ShapeDtypeStruct((B,), jnp.float32),
    ),
    mesh=plsc.VectorSubcoreMesh(
        core_axis_name="c", subcore_axis_name="s",
        num_cores=NC, num_subcores=NS),
    scratch_types=[
        pltpu.VMEM((BPW,), jnp.int32),
        pltpu.VMEM((BPW,), jnp.int32),
        pltpu.VMEM((NBUF, D, 128), jnp.float32),
        pltpu.VMEM((NBUF, D, 128), jnp.float32),
        pltpu.VMEM((NBLK, D, 128), jnp.float32),
        pltpu.VMEM((NBLK, D, 128), jnp.float32),
        pltpu.VMEM((BPW,), jnp.float32),
        pltpu.VMEM((BPW,), jnp.float32),
        pltpu.SemaphoreType.DMA,
        pltpu.SemaphoreType.DMA,
        pltpu.SemaphoreType.DMA,
        pltpu.SemaphoreType.DMA,
    ],
    compiler_params=pltpu.CompilerParams(use_tc_tiling_on_sc=True,
                                         needs_layout_passes=False),
    name="glove_page_sc",
)


@jax.jit
def kernel(ctr, cxt, ctr_table, cxt_table, ctr_bias_table, cxt_bias_table):
    ctr = ctr.astype(jnp.int32)
    cxt = cxt.astype(jnp.int32)
    ec, ex, cb, xb = _sc_call(ctr, cxt, ctr_table.T, cxt_table.T,
                              ctr_bias_table.reshape(V),
                              cxt_bias_table.reshape(V))
    ec = ec.transpose(0, 2, 1).reshape(B, D)
    ex = ex.transpose(0, 2, 1).reshape(B, D)
    return ec, ex, cb.reshape(B, 1), xb.reshape(B, 1)

# --- scband reference (transcript-rebuilt; emitter-appended) ---
"""Pipeline reference for scband-glo-ve-model-17214228922581 (READ-ONLY COPY).

The authoritative reference and input builder live on the scoring server;
editing this copy changes nothing except your own understanding.
"""

import jax, jax.numpy as jnp
import numpy as np

V = 1000001  # 1 + num_vocab
D = 32
B = 16384

def setup_inputs(seed: int = 0) -> dict:
    key = jax.random.key(seed)
    k1, k2, k3, k4, k5, k6 = jax.random.split(key, 6)
    ctr = jax.random.randint(k1, (B,), 0, 1000000)
    cxt = jax.random.randint(k2, (B,), 0, 1000000)
    ctr_table = jax.random.normal(k3, (V, D), dtype=jnp.float32) * 0.02
    cxt_table = jax.random.normal(k4, (V, D), dtype=jnp.float32) * 0.02
    ctr_bias_table = jax.random.normal(k5, (V, 1), dtype=jnp.float32) * 0.02
    cxt_bias_table = jax.random.normal(k6, (V, 1), dtype=jnp.float32) * 0.02
    return {"ctr": ctr, "cxt": cxt,
            "ctr_table": ctr_table, "cxt_table": cxt_table,
            "ctr_bias_table": ctr_bias_table, "cxt_bias_table": cxt_bias_table}

def reference(ctr, cxt, ctr_table, cxt_table, ctr_bias_table, cxt_bias_table):
    ctr = ctr.astype(jnp.int64) if ctr.dtype != jnp.int32 else ctr
    cxt = cxt.astype(jnp.int64) if cxt.dtype != jnp.int32 else cxt
    ctr_embed = jnp.take(ctr_table, ctr, axis=0)
    cxt_embed = jnp.take(cxt_table, cxt, axis=0)
    ctr_bias = jnp.take(ctr_bias_table, ctr, axis=0)
    cxt_bias = jnp.take(cxt_bias_table, cxt, axis=0)
    return (ctr_embed, cxt_embed, ctr_bias, cxt_bias)

if __name__ == "__main__":
    import jax
    _d = setup_inputs()
    print(jax.jit(kernel)(*tuple(_d.values())))

</pallas_src>

<mosaic_0001>
#map = affine_map<(d0, d1) -> (0)>
#map1 = affine_map<(d0, d1) -> (0, 0)>
#map2 = affine_map<(d0, d1) -> (0, 0, 0)>
module attributes {stable_mosaic.version = 14 : i64} {
  func.func @glove_page_sc(%arg0: i32, %arg1: i32, %arg2: memref<16384xi32, #tpu.memory_space<hbm>>, %arg3: memref<16384xi32, #tpu.memory_space<hbm>>, %arg4: memref<32x1000001xf32, #tpu.memory_space<hbm>>, %arg5: memref<32x1000001xf32, #tpu.memory_space<hbm>>, %arg6: memref<1000001xf32, #tpu.memory_space<hbm>>, %arg7: memref<1000001xf32, #tpu.memory_space<hbm>>, %arg8: memref<128x32x128xf32, #tpu.memory_space<hbm>>, %arg9: memref<128x32x128xf32, #tpu.memory_space<hbm>>, %arg10: memref<16384xf32, #tpu.memory_space<hbm>>, %arg11: memref<16384xf32, #tpu.memory_space<hbm>>, %arg12: memref<512xi32, #tpu.memory_space<vmem>>, %arg13: memref<512xi32, #tpu.memory_space<vmem>>, %arg14: memref<8x32x128xf32, #tpu.memory_space<vmem>>, %arg15: memref<8x32x128xf32, #tpu.memory_space<vmem>>, %arg16: memref<4x32x128xf32, #tpu.memory_space<vmem>>, %arg17: memref<4x32x128xf32, #tpu.memory_space<vmem>>, %arg18: memref<512xf32, #tpu.memory_space<vmem>>, %arg19: memref<512xf32, #tpu.memory_space<vmem>>, %arg20: memref<!tpu.dma_semaphore, #tpu.memory_space<semaphore_mem>>, %arg21: memref<!tpu.dma_semaphore, #tpu.memory_space<semaphore_mem>>, %arg22: memref<!tpu.dma_semaphore, #tpu.memory_space<semaphore_mem>>, %arg23: memref<!tpu.dma_semaphore, #tpu.memory_space<semaphore_mem>>) attributes {dimension_semantics = [#tpu.dimension_semantics<core_parallel>, #tpu.dimension_semantics<subcore_parallel>], iteration_bounds = array<i64: 2, 16>, scalar_prefetch = 0 : i64, scratch_operands = 12 : i64, tpu.core_type = #tpu.core_type<sc_vector_subcore>, window_params = [{transform_indices = #map}, {transform_indices = #map}, {transform_indices = #map1}, {transform_indices = #map1}, {transform_indices = #map}, {transform_indices = #map}, {transform_indices = #map2}, {transform_indices = #map2}, {transform_indices = #map}, {transform_indices = #map}]} {
    %mul3A = arith.constant 2 : i32
    %mul3A_0 = arith.muli %arg1, %mul3A : i32
    %add3A = arith.addi %mul3A_0, %arg0 : i32
    %mul3A_1 = arith.constant 512 : i32
    %mul3A_2 = arith.muli %add3A, %mul3A_1 : i32
    "tpu.region"() ({
      %run_scoped3A = tpu.sem_alloc : memref<!tpu.dma_semaphore, #tpu.memory_space<semaphore_mem>>
      %dma_start3A_836 = tpu.memref_slice %arg2[%mul3A_2] : memref<16384xi32, #tpu.memory_space<hbm>> -> memref<512xi32, #tpu.memory_space<hbm>>
      %dma_start3A_837 = tpu.memref_slice %arg2[%mul3A_2] : memref<16384xi32, #tpu.memory_space<hbm>> -> memref<512xi32, #tpu.memory_space<hbm>>
      tpu.enqueue_dma source(%dma_start3A_837 : memref<512xi32, #tpu.memory_space<hbm>>) target(%arg12 : memref<512xi32, #tpu.memory_space<vmem>>) target_semaphore(%run_scoped3A : memref<!tpu.dma_semaphore, #tpu.memory_space<semaphore_mem>>)
      %dma_wait3A_838 = tpu.memref_slice %arg2[%mul3A_2] : memref<16384xi32, #tpu.memory_space<hbm>> -> memref<512xi32, #tpu.memory_space<hbm>>
      %dma_wait3A_839 = tpu.memref_slice %arg2[%mul3A_2] : memref<16384xi32, #tpu.memory_space<hbm>> -> memref<512xi32, #tpu.memory_space<hbm>>
      tpu.wait_dma2 semaphore(%run_scoped3A : memref<!tpu.dma_semaphore, #tpu.memory_space<semaphore_mem>>) src(%dma_wait3A_839 : memref<512xi32, #tpu.memory_space<hbm>>) dst(%arg12 : memref<512xi32, #tpu.memory_space<vmem>>)
      tpu.yield
    }) : () -> ()
    "tpu.region"() ({
      %run_scoped3A = tpu.sem_alloc : memref<!tpu.dma_semaphore, #tpu.memory_space<semaphore_mem>>
      %dma_start3A_836 = tpu.memref_slice %arg3[%mul3A_2] : memref<16384xi32, #tpu.memory_space<hbm>> -> memref<512xi32, #tpu.memory_space<hbm>>
      %dma_start3A_837 = tpu.memref_slice %arg3[%mul3A_2] : memref<16384xi32, #tpu.memory_space<hbm>> -> memref<512xi32, #tpu.memory_space<hbm>>
      tpu.enqueue_dma source(%dma_start3A_837 : memref<512xi32, #tpu.memory_space<hbm>>) target(%arg13 : memref<512xi32, #tpu.memory_space<vmem>>) target_semaphore(%run_scoped3A : memref<!tpu.dma_semaphore, #tpu.memory_space<semaphore_mem>>)
      %dma_wait3A_838 = tpu.memref_slice %arg3[%mul3A_2] : memref<16384xi32, #tpu.memory_space<hbm>> -> memref<512xi32, #tpu.memory_space<hbm>>
      %dma_wait3A_839 = tpu.memref_slice %arg3[%mul3A_2] : memref<16384xi32, #tpu.memory_space<hbm>> -> memref<512xi32, #tpu.memory_space<hbm>>
      tpu.wait_dma2 semaphore(%run_scoped3A : memref<!tpu.dma_semaphore, #tpu.memory_space<semaphore_mem>>) src(%dma_wait3A_839 : memref<512xi32, #tpu.memory_space<hbm>>) dst(%arg13 : memref<512xi32, #tpu.memory_space<vmem>>)
      tpu.yield
    }) : () -> ()
    %dma_start3A = arith.constant 0 : i32
    %dma_start3A_3 = tpu.memref_slice %arg6[%dma_start3A] : memref<1000001xf32, #tpu.memory_space<hbm>> -> memref<1000001xf32, #tpu.memory_space<hbm>>
    tpu.enqueue_indirect_dma source(%dma_start3A_3 : memref<1000001xf32, #tpu.memory_space<hbm>>) target(%arg18 : memref<512xf32, #tpu.memory_space<vmem>>) offsets(%arg12 : memref<512xi32, #tpu.memory_space<vmem>>) semaphore(%arg22 : memref<!tpu.dma_semaphore, #tpu.memory_space<semaphore_mem>>)
    %dma_start3A_4 = arith.constant 0 : i32
    %dma_start3A_5 = tpu.memref_slice %arg7[%dma_start3A_4] : memref<1000001xf32, #tpu.memory_space<hbm>> -> memref<1000001xf32, #tpu.memory_space<hbm>>
    tpu.enqueue_indirect_dma source(%dma_start3A_5 : memref<1000001xf32, #tpu.memory_space<hbm>>) target(%arg19 : memref<512xf32, #tpu.memory_space<vmem>>) offsets(%arg13 : memref<512xi32, #tpu.memory_space<vmem>>) semaphore(%arg23 : memref<!tpu.dma_semaphore, #tpu.memory_space<semaphore_mem>>)
    %iota3A = tpu.iota {dimensions = array<i32: 0>} : vector<16xi32>
    %get3A = arith.constant 0 : index
    %get3A_6 = tpu.vector_load %arg12[%get3A] {strides = array<i32>} : memref<512xi32, #tpu.memory_space<vmem>>, vector<16xi32>,
    %eq3A = arith.constant 0 : i32
    %eq3A_7 = vector.broadcast %eq3A : i32 to vector<16xi32>
    %eq3A_8 = arith.cmpi eq, %iota3A, %eq3A_7 : vector<16xi32>
    %jit3A = arith.constant 0 : i32
    %broadcast_in_dim3A = vector.broadcast %jit3A : i32 to vector<16xi32>
    %select_n3A = arith.select %eq3A_8, %get3A_6, %broadcast_in_dim3A : vector<16xi1>, vector<16xi32>
    %reduce_sum3A = arith.constant true
    %reduce_sum3A_9 = vector.broadcast %reduce_sum3A : i1 to vector<16xi1>
    %reduce_sum3A_10 = tpu.scan <sum>, %select_n3A masked %reduce_sum3A_9 : vector<16xi32>, vector<16xi1> -> vector<16xi32>
    %reduce_sum3A_11 = vector.extract %reduce_sum3A_10[15] : i32 from vector<16xi32>
    %jit3A_12 = arith.constant 128 : i32
    %div3A = arith.divsi %reduce_sum3A_11, %jit3A_12 : i32
    %sign3A = arith.constant 0 : i32
    %sign3A_13 = arith.cmpi sgt, %reduce_sum3A_11, %sign3A : i32
    %sign3A_14 = arith.extui %sign3A_13 : i1 to i32
    %sign3A_15 = arith.constant 0 : i32
    %sign3A_16 = arith.cmpi slt, %reduce_sum3A_11, %sign3A_15 : i32
    %sign3A_17 = arith.extui %sign3A_16 : i1 to i32
    %sign3A_18 = arith.subi %sign3A_14, %sign3A_17 : i32
    %sign3A_19 = arith.constant 0 : i32
    %sign3A_20 = arith.cmpi sgt, %jit3A_12, %sign3A_19 : i32
    %sign3A_21 = arith.extui %sign3A_20 : i1 to i32
    %sign3A_22 = arith.constant 0 : i32
    %sign3A_23 = arith.cmpi slt, %jit3A_12, %sign3A_22 : i32
    %sign3A_24 = arith.extui %sign3A_23 : i1 to i32
    %sign3A_25 = arith.subi %sign3A_21, %sign3A_24 : i32
    %ne3A = arith.cmpi ne, %sign3A_18, %sign3A_25 : i32
    %rem3A = arith.remsi %reduce_sum3A_11, %jit3A_12 : i32
    %ne3A_26 = arith.constant 0 : i32
    %ne3A_27 = arith.cmpi ne, %rem3A, %ne3A_26 : i32
    %and3A = arith.andi %ne3A, %ne3A_27 : i1
    %sub3A = arith.constant 1 : i32
    %sub3A_28 = arith.subi %div3A, %sub3A : i32
    %select_n3A_29 = arith.select %and3A, %sub3A_28, %div3A : i32
    %mul3A_30 = arith.constant 128 : i32
    %mul3A_31 = arith.muli %select_n3A_29, %mul3A_30 : i32
    %multiple_of3A = tpu.assume_multiple %mul3A_31, 128 : i32
    %dma_start3A_32 = arith.constant 0 : i32
    %dma_start3A_33 = arith.constant 0 : i32
    %dma_start3A_34 = arith.constant 0 : i32
    %dma_start3A_35 = tpu.memref_slice %arg14[%dma_start3A_32, %dma_start3A_33, %dma_start3A_34] : memref<8x32x128xf32, #tpu.memory_space<vmem>> -> memref<1x32x128xf32, #tpu.memory_space<vmem>>
    %dma_start3A_36 = tpu.memref_squeeze %dma_start3A_35 : memref<1x32x128xf32, #tpu.memory_space<vmem>> -> memref<32x128xf32, #tpu.memory_space<vmem>>
    %dma_start3A_37 = arith.constant 0 : i32
    %dma_start3A_38 = tpu.memref_slice %arg4[%dma_start3A_37, %multiple_of3A] : memref<32x1000001xf32, #tpu.memory_space<hbm>> -> memref<32x128xf32, #tpu.memory_space<hbm>>
    %dma_start3A_39 = arith.constant 0 : i32
    %dma_start3A_40 = arith.constant 0 : i32
    %dma_start3A_41 = tpu.memref_slice %arg14[%dma_start3A_32, %dma_start3A_39, %dma_start3A_40] : memref<8x32x128xf32, #tpu.memory_space<vmem>> -> memref<1x32x128xf32, #tpu.memory_space<vmem>>
    %dma_start3A_42 = tpu.memref_squeeze %dma_start3A_41 : memref<1x32x128xf32, #tpu.memory_space<vmem>> -> memref<32x128xf32, #tpu.memory_space<vmem>>
    %dma_start3A_43 = arith.constant 0 : i32
    %dma_start3A_44 = tpu.memref_slice %arg4[%dma_start3A_43, %multiple_of3A] : memref<32x1000001xf32, #tpu.memory_space<hbm>> -> memref<32x128xf32, #tpu.memory_space<hbm>>
    tpu.enqueue_dma source(%dma_start3A_44 : memref<32x128xf32, #tpu.memory_space<hbm>>) target(%dma_start3A_42 : memref<32x128xf32, #tpu.memory_space<vmem>>) target_semaphore(%arg20 : memref<!tpu.dma_semaphore, #tpu.memory_space<semaphore_mem>>)
    %get3A_45 = arith.constant 0 : index
    %get3A_46 = tpu.vector_load %arg13[%get3A_45] {strides = array<i32>} : memref<512xi32, #tpu.memory_space<vmem>>, vector<16xi32>,
    %eq3A_47 = arith.constant 0 : i32
    %eq3A_48 = vector.broadcast %eq3A_47 : i32 to vector<16xi32>
    %eq3A_49 = arith.cmpi eq, %iota3A, %eq3A_48 : vector<16xi32>
    %jit3A_50 = arith.constant 0 : i32
    %broadcast_in_dim3A_51 = vector.broadcast %jit3A_50 : i32 to vector<16xi32>
    %select_n3A_52 = arith.select %eq3A_49, %get3A_46, %broadcast_in_dim3A_51 : vector<16xi1>, vector<16xi32>
    %reduce_sum3A_53 = arith.constant true
    %reduce_sum3A_54 = vector.broadcast %reduce_sum3A_53 : i1 to vector<16xi1>
    %reduce_sum3A_55 = tpu.scan <sum>, %select_n3A_52 masked %reduce_sum3A_54 : vector<16xi32>, vector<16xi1> -> vector<16xi32>
    %reduce_sum3A_56 = vector.extract %reduce_sum3A_55[15] : i32 from vector<16xi32>
    %jit3A_57 = arith.constant 128 : i32
    %div3A_58 = arith.divsi %reduce_sum3A_56, %jit3A_57 : i32
    %sign3A_59 = arith.constant 0 : i32
    %sign3A_60 = arith.cmpi sgt, %reduce_sum3A_56, %sign3A_59 : i32
    %sign3A_61 = arith.extui %sign3A_60 : i1 to i32
    %sign3A_62 = arith.constant 0 : i32
    %sign3A_63 = arith.cmpi slt, %reduce_sum3A_56, %sign3A_62 : i32
    %sign3A_64 = arith.extui %sign3A_63 : i1 to i32
    %sign3A_65 = arith.subi %sign3A_61, %sign3A_64 : i32
    %sign3A_66 = arith.constant 0 : i32
    %sign3A_67 = arith.cmpi sgt, %jit3A_57, %sign3A_66 : i32
    %sign3A_68 = arith.extui %sign3A_67 : i1 to i32
    %sign3A_69 = arith.constant 0 : i32
    %sign3A_70 = arith.cmpi slt, %jit3A_57, %sign3A_69 : i32
    %sign3A_71 = arith.extui %sign3A_70 : i1 to i32
    %sign3A_72 = arith.subi %sign3A_68, %sign3A_71 : i32
    %ne3A_73 = arith.cmpi ne, %sign3A_65, %sign3A_72 : i32
    %rem3A_74 = arith.remsi %reduce_sum3A_56, %jit3A_57 : i32
    %ne3A_75 = arith.constant 0 : i32
    %ne3A_76 = arith.cmpi ne, %rem3A_74, %ne3A_75 : i32
    %and3A_77 = arith.andi %ne3A_73, %ne3A_76 : i1
    %sub3A_78 = arith.constant 1 : i32
    %sub3A_79 = arith.subi %div3A_58, %sub3A_78 : i32
    %select_n3A_80 = arith.select %and3A_77, %sub3A_79, %div3A_58 : i32
    %mul3A_81 = arith.constant 128 : i32
    %mul3A_82 = arith.muli %select_n3A_80, %mul3A_81 : i32
    %multiple_of3A_83 = tpu.assume_multiple %mul3A_82, 128 : i32
    %dma_start3A_84 = arith.constant 0 : i32
    %dma_start3A_85 = arith.constant 0 : i32
    %dma_start3A_86 = arith.constant 0 : i32
    %dma_start3A_87 = tpu.memref_slice %arg15[%dma_start3A_84, %dma_start3A_85, %dma_start3A_86] : memref<8x32x128xf32, #tpu.memory_space<vmem>> -> memref<1x32x128xf32, #tpu.memory_space<vmem>>
    %dma_start3A_88 = tpu.memref_squeeze %dma_start3A_87 : memref<1x32x128xf32, #tpu.memory_space<vmem>> -> memref<32x128xf32, #tpu.memory_space<vmem>>
    %dma_start3A_89 = arith.constant 0 : i32
    %dma_start3A_90 = tpu.memref_slice %arg5[%dma_start3A_89, %multiple_of3A_83] : memref<32x1000001xf32, #tpu.memory_space<hbm>> -> memref<32x128xf32, #tpu.memory_space<hbm>>
    %dma_start3A_91 = arith.constant 0 : i32
    %dma_start3A_92 = arith.constant 0 : i32
    %dma_start3A_93 = tpu.memref_slice %arg15[%dma_start3A_84, %dma_start3A_91, %dma_start3A_92] : memref<8x32x128xf32, #tpu.memory_space<vmem>> -> memref<1x32x128xf32, #tpu.memory_space<vmem>>
    %dma_start3A_94 = tpu.memref_squeeze %dma_start3A_93 : memref<1x32x128xf32, #tpu.memory_space<vmem>> -> memref<32x128xf32, #tpu.memory_space<vmem>>
    %dma_start3A_95 = arith.constant 0 : i32
    %dma_start3A_96 = tpu.memref_slice %arg5[%dma_start3A_95, %multiple_of3A_83] : memref<32x1000001xf32, #tpu.memory_space<hbm>> -> memref<32x128xf32, #tpu.memory_space<hbm>>
    tpu.enqueue_dma source(%dma_start3A_96 : memref<32x128xf32, #tpu.memory_space<hbm>>) target(%dma_start3A_94 : memref<32x128xf32, #tpu.memory_space<vmem>>) target_semaphore(%arg21 : memref<!tpu.dma_semaphore, #tpu.memory_space<semaphore_mem>>)
    %get3A_97 = arith.constant 0 : index
    %get3A_98 = tpu.vector_load %arg12[%get3A_97] {strides = array<i32>} : memref<512xi32, #tpu.memory_space<vmem>>, vector<16xi32>,
    %eq3A_99 = arith.constant 1 : i32
    %eq3A_100 = vector.broadcast %eq3A_99 : i32 to vector<16xi32>
    %eq3A_101 = arith.cmpi eq, %iota3A, %eq3A_100 : vector<16xi32>
    %jit3A_102 = arith.constant 0 : i32
    %broadcast_in_dim3A_103 = vector.broadcast %jit3A_102 : i32 to vector<16xi32>
    %select_n3A_104 = arith.select %eq3A_101, %get3A_98, %broadcast_in_dim3A_103 : vector<16xi1>, vector<16xi32>
    %reduce_sum3A_105 = arith.constant true
    %reduce_sum3A_106 = vector.broadcast %reduce_sum3A_105 : i1 to vector<16xi1>
    %reduce_sum3A_107 = tpu.scan <sum>, %select_n3A_104 masked %reduce_sum3A_106 : vector<16xi32>, vector<16xi1> -> vector<16xi32>
    %reduce_sum3A_108 = vector.extract %reduce_sum3A_107[15] : i32 from vector<16xi32>
    %jit3A_109 = arith.constant 128 : i32
    %div3A_110 = arith.divsi %reduce_sum3A_108, %jit3A_109 : i32
    %sign3A_111 = arith.constant 0 : i32
    %sign3A_112 = arith.cmpi sgt, %reduce_sum3A_108, %sign3A_111 : i32
    %sign3A_113 = arith.extui %sign3A_112 : i1 to i32
    %sign3A_114 = arith.constant 0 : i32
    %sign3A_115 = arith.cmpi slt, %reduce_sum3A_108, %sign3A_114 : i32
    %sign3A_116 = arith.extui %sign3A_115 : i1 to i32
    %sign3A_117 = arith.subi %sign3A_113, %sign3A_116 : i32
    %sign3A_118 = arith.constant 0 : i32
    %sign3A_119 = arith.cmpi sgt, %jit3A_109, %sign3A_118 : i32
    %sign3A_120 = arith.extui %sign3A_119 : i1 to i32
    %sign3A_121 = arith.constant 0 : i32
    %sign3A_122 = arith.cmpi slt, %jit3A_109, %sign3A_121 : i32
    %sign3A_123 = arith.extui %sign3A_122 : i1 to i32
    %sign3A_124 = arith.subi %sign3A_120, %sign3A_123 : i32
    %ne3A_125 = arith.cmpi ne, %sign3A_117, %sign3A_124 : i32
    %rem3A_126 = arith.remsi %reduce_sum3A_108, %jit3A_109 : i32
    %ne3A_127 = arith.constant 0 : i32
    %ne3A_128 = arith.cmpi ne, %rem3A_126, %ne3A_127 : i32
    %and3A_129 = arith.andi %ne3A_125, %ne3A_128 : i1
    %sub3A_130 = arith.constant 1 : i32
    %sub3A_131 = arith.subi %div3A_110, %sub3A_130 : i32
    %select_n3A_132 = arith.select %and3A_129, %sub3A_131, %div3A_110 : i32
    %mul3A_133 = arith.constant 128 : i32
    %mul3A_134 = arith.muli %select_n3A_132, %mul3A_133 : i32
    %multiple_of3A_135 = tpu.assume_multiple %mul3A_134, 128 : i32
    %dma_start3A_136 = arith.constant 1 : i32
    %dma_start3A_137 = arith.constant 0 : i32
    %dma_start3A_138 = arith.constant 0 : i32
    %dma_start3A_139 = tpu.memref_slice %arg14[%dma_start3A_136, %dma_start3A_137, %dma_start3A_138] : memref<8x32x128xf32, #tpu.memory_space<vmem>> -> memref<1x32x128xf32, #tpu.memory_space<vmem>>
    %dma_start3A_140 = tpu.memref_squeeze %dma_start3A_139 : memref<1x32x128xf32, #tpu.memory_space<vmem>> -> memref<32x128xf32, #tpu.memory_space<vmem>>
    %dma_start3A_141 = arith.constant 0 : i32
    %dma_start3A_142 = tpu.memref_slice %arg4[%dma_start3A_141, %multiple_of3A_135] : memref<32x1000001xf32, #tpu.memory_space<hbm>> -> memref<32x128xf32, #tpu.memory_space<hbm>>
    %dma_start3A_143 = arith.constant 0 : i32
    %dma_start3A_144 = arith.constant 0 : i32
    %dma_start3A_145 = tpu.memref_slice %arg14[%dma_start3A_136, %dma_start3A_143, %dma_start3A_144] : memref<8x32x128xf32, #tpu.memory_space<vmem>> -> memref<1x32x128xf32, #tpu.memory_space<vmem>>
    %dma_start3A_146 = tpu.memref_squeeze %dma_start3A_145 : memref<1x32x128xf32, #tpu.memory_space<vmem>> -> memref<32x128xf32, #tpu.memory_space<vmem>>
    %dma_start3A_147 = arith.constant 0 : i32
    %dma_start3A_148 = tpu.memref_slice %arg4[%dma_start3A_147, %multiple_of3A_135] : memref<32x1000001xf32, #tpu.memory_space<hbm>> -> memref<32x128xf32, #tpu.memory_space<hbm>>
    tpu.enqueue_dma source(%dma_start3A_148 : memref<32x128xf32, #tpu.memory_space<hbm>>) target(%dma_start3A_146 : memref<32x128xf32, #tpu.memory_space<vmem>>) target_semaphore(%arg20 : memref<!tpu.dma_semaphore, #tpu.memory_space<semaphore_mem>>)
    %get3A_149 = arith.constant 0 : index
    %get3A_150 = tpu.vector_load %arg13[%get3A_149] {strides = array<i32>} : memref<512xi32, #tpu.memory_space<vmem>>, vector<16xi32>,
    %eq3A_151 = arith.constant 1 : i32
    %eq3A_152 = vector.broadcast %eq3A_151 : i32 to vector<16xi32>
    %eq3A_153 = arith.cmpi eq, %iota3A, %eq3A_152 : vector<16xi32>
    %jit3A_154 = arith.constant 0 : i32
    %broadcast_in_dim3A_155 = vector.broadcast %jit3A_154 : i32 to vector<16xi32>
    %select_n3A_156 = arith.select %eq3A_153, %get3A_150, %broadcast_in_dim3A_155 : vector<16xi1>, vector<16xi32>
    %reduce_sum3A_157 = arith.constant true
    %reduce_sum3A_158 = vector.broadcast %reduce_sum3A_157 : i1 to vector<16xi1>
    %reduce_sum3A_159 = tpu.scan <sum>, %select_n3A_156 masked %reduce_sum3A_158 : vector<16xi32>, vector<16xi1> -> vector<16xi32>
    %reduce_sum3A_160 = vector.extract %reduce_sum3A_159[15] : i32 from vector<16xi32>
    %jit3A_161 = arith.constant 128 : i32
    %div3A_162 = arith.divsi %reduce_sum3A_160, %jit3A_161 : i32
    %sign3A_163 = arith.constant 0 : i32
    %sign3A_164 = arith.cmpi sgt, %reduce_sum3A_160, %sign3A_163 : i32
    %sign3A_165 = arith.extui %sign3A_164 : i1 to i32
    %sign3A_166 = arith.constant 0 : i32
    %sign3A_167 = arith.cmpi slt, %reduce_sum3A_160, %sign3A_166 : i32
    %sign3A_168 = arith.extui %sign3A_167 : i1 to i32
    %sign3A_169 = arith.subi %sign3A_165, %sign3A_168 : i32
    %sign3A_170 = arith.constant 0 : i32
    %sign3A_171 = arith.cmpi sgt, %jit3A_161, %sign3A_170 : i32
    %sign3A_172 = arith.extui %sign3A_171 : i1 to i32
    %sign3A_173 = arith.constant 0 : i32
    %sign3A_174 = arith.cmpi slt, %jit3A_161, %sign3A_173 : i32
    %sign3A_175 = arith.extui %sign3A_174 : i1 to i32
    %sign3A_176 = arith.subi %sign3A_172, %sign3A_175 : i32
    %ne3A_177 = arith.cmpi ne, %sign3A_169, %sign3A_176 : i32
    %rem3A_178 = arith.remsi %reduce_sum3A_160, %jit3A_161 : i32
    %ne3A_179 = arith.constant 0 : i32
    %ne3A_180 = arith.cmpi ne, %rem3A_178, %ne3A_179 : i32
    %and3A_181 = arith.andi %ne3A_177, %ne3A_180 : i1
    %sub3A_182 = arith.constant 1 : i32
    %sub3A_183 = arith.subi %div3A_162, %sub3A_182 : i32
    %select_n3A_184 = arith.select %and3A_181, %sub3A_183, %div3A_162 : i32
    %mul3A_185 = arith.constant 128 : i32
    %mul3A_186 = arith.muli %select_n3A_184, %mul3A_185 : i32
    %multiple_of3A_187 = tpu.assume_multiple %mul3A_186, 128 : i32
    %dma_start3A_188 = arith.constant 1 : i32
    %dma_start3A_189 = arith.constant 0 : i32
    %dma_start3A_190 = arith.constant 0 : i32
    %dma_start3A_191 = tpu.memref_slice %arg15[%dma_start3A_188, %dma_start3A_189, %dma_start3A_190] : memref<8x32x128xf32, #tpu.memory_space<vmem>> -> memref<1x32x128xf32, #tpu.memory_space<vmem>>
    %dma_start3A_192 = tpu.memref_squeeze %dma_start3A_191 : memref<1x32x128xf32, #tpu.memory_space<vmem>> -> memref<32x128xf32, #tpu.memory_space<vmem>>
    %dma_start3A_193 = arith.constant 0 : i32
    %dma_start3A_194 = tpu.memref_slice %arg5[%dma_start3A_193, %multiple_of3A_187] : memref<32x1000001xf32, #tpu.memory_space<hbm>> -> memref<32x128xf32, #tpu.memory_space<hbm>>
    %dma_start3A_195 = arith.constant 0 : i32
    %dma_start3A_196 = arith.constant 0 : i32
    %dma_start3A_197 = tpu.memref_slice %arg15[%dma_start3A_188, %dma_start3A_195, %dma_start3A_196] : memref<8x32x128xf32, #tpu.memory_space<vmem>> -> memref<1x32x128xf32, #tpu.memory_space<vmem>>
    %dma_start3A_198 = tpu.memref_squeeze %dma_start3A_197 : memref<1x32x128xf32, #tpu.memory_space<vmem>> -> memref<32x128xf32, #tpu.memory_space<vmem>>
    %dma_start3A_199 = arith.constant 0 : i32
    %dma_start3A_200 = tpu.memref_slice %arg5[%dma_start3A_199, %multiple_of3A_187] : memref<32x1000001xf32, #tpu.memory_space<hbm>> -> memref<32x128xf32, #tpu.memory_space<hbm>>
    tpu.enqueue_dma source(%dma_start3A_200 : memref<32x128xf32, #tpu.memory_space<hbm>>) target(%dma_start3A_198 : memref<32x128xf32, #tpu.memory_space<vmem>>) target_semaphore(%arg21 : memref<!tpu.dma_semaphore, #tpu.memory_space<semaphore_mem>>)
    %get3A_201 = arith.constant 0 : index
    %get3A_202 = tpu.vector_load %arg12[%get3A_201] {strides = array<i32>} : memref<512xi32, #tpu.memory_space<vmem>>, vector<16xi32>,
    %eq3A_203 = arith.constant 2 : i32
    %eq3A_204 = vector.broadcast %eq3A_203 : i32 to vector<16xi32>
    %eq3A_205 = arith.cmpi eq, %iota3A, %eq3A_204 : vector<16xi32>
    %jit3A_206 = arith.constant 0 : i32
    %broadcast_in_dim3A_207 = vector.broadcast %jit3A_206 : i32 to vector<16xi32>
    %select_n3A_208 = arith.select %eq3A_205, %get3A_202, %broadcast_in_dim3A_207 : vector<16xi1>, vector<16xi32>
    %reduce_sum3A_209 = arith.constant true
    %reduce_sum3A_210 = vector.broadcast %reduce_sum3A_209 : i1 to vector<16xi1>
    %reduce_sum3A_211 = tpu.scan <sum>, %select_n3A_208 masked %reduce_sum3A_210 : vector<16xi32>, vector<16xi1> -> vector<16xi32>
    %reduce_sum3A_212 = vector.extract %reduce_sum3A_211[15] : i32 from vector<16xi32>
    %jit3A_213 = arith.constant 128 : i32
    %div3A_214 = arith.divsi %reduce_sum3A_212, %jit3A_213 : i32
    %sign3A_215 = arith.constant 0 : i32
    %sign3A_216 = arith.cmpi sgt, %reduce_sum3A_212, %sign3A_215 : i32
    %sign3A_217 = arith.extui %sign3A_216 : i1 to i32
    %sign3A_218 = arith.constant 0 : i32
    %sign3A_219 = arith.cmpi slt, %reduce_sum3A_212, %sign3A_218 : i32
    %sign3A_220 = arith.extui %sign3A_219 : i1 to i32
    %sign3A_221 = arith.subi %sign3A_217, %sign3A_220 : i32
    %sign3A_222 = arith.constant 0 : i32
    %sign3A_223 = arith.cmpi sgt, %jit3A_213, %sign3A_222 : i32
    %sign3A_224 = arith.extui %sign3A_223 : i1 to i32
    %sign3A_225 = arith.constant 0 : i32
    %sign3A_226 = arith.cmpi slt, %jit3A_213, %sign3A_225 : i32
    %sign3A_227 = arith.extui %sign3A_226 : i1 to i32
    %sign3A_228 = arith.subi %sign3A_224, %sign3A_227 : i32
    %ne3A_229 = arith.cmpi ne, %sign3A_221, %sign3A_228 : i32
    %rem3A_230 = arith.remsi %reduce_sum3A_212, %jit3A_213 : i32
    %ne3A_231 = arith.constant 0 : i32
    %ne3A_232 = arith.cmpi ne, %rem3A_230, %ne3A_231 : i32
    %and3A_233 = arith.andi %ne3A_229, %ne3A_232 : i1
    %sub3A_234 = arith.constant 1 : i32
    %sub3A_235 = arith.subi %div3A_214, %sub3A_234 : i32
    %select_n3A_236 = arith.select %and3A_233, %sub3A_235, %div3A_214 : i32
    %mul3A_237 = arith.constant 128 : i32
    %mul3A_238 = arith.muli %select_n3A_236, %mul3A_237 : i32
    %multiple_of3A_239 = tpu.assume_multiple %mul3A_238, 128 : i32
    %dma_start3A_240 = arith.constant 2 : i32
    %dma_start3A_241 = arith.constant 0 : i32
    %dma_start3A_242 = arith.constant 0 : i32
    %dma_start3A_243 = tpu.memref_slice %arg14[%dma_start3A_240, %dma_start3A_241, %dma_start3A_242] : memref<8x32x128xf32, #tpu.memory_space<vmem>> -> memref<1x32x128xf32, #tpu.memory_space<vmem>>
    %dma_start3A_244 = tpu.memref_squeeze %dma_start3A_243 : memref<1x32x128xf32, #tpu.memory_space<vmem>> -> memref<32x128xf32, #tpu.memory_space<vmem>>
    %dma_start3A_245 = arith.constant 0 : i32
    %dma_start3A_246 = tpu.memref_slice %arg4[%dma_start3A_245, %multiple_of3A_239] : memref<32x1000001xf32, #tpu.memory_space<hbm>> -> memref<32x128xf32, #tpu.memory_space<hbm>>
    %dma_start3A_247 = arith.constant 0 : i32
    %dma_start3A_248 = arith.constant 0 : i32
    %dma_start3A_249 = tpu.memref_slice %arg14[%dma_start3A_240, %dma_start3A_247, %dma_start3A_248] : memref<8x32x128xf32, #tpu.memory_space<vmem>> -> memref<1x32x128xf32, #tpu.memory_space<vmem>>
    %dma_start3A_250 = tpu.memref_squeeze %dma_start3A_249 : memref<1x32x128xf32, #tpu.memory_space<vmem>> -> memref<32x128xf32, #tpu.memory_space<vmem>>
    %dma_start3A_251 = arith.constant 0 : i32
    %dma_start3A_252 = tpu.memref_slice %arg4[%dma_start3A_251, %multiple_of3A_239] : memref<32x1000001xf32, #tpu.memory_space<hbm>> -> memref<32x128xf32, #tpu.memory_space<hbm>>
    tpu.enqueue_dma source(%dma_start3A_252 : memref<32x128xf32, #tpu.memory_space<hbm>>) target(%dma_start3A_250 : memref<32x128xf32, #tpu.memory_space<vmem>>) target_semaphore(%arg20 : memref<!tpu.dma_semaphore, #tpu.memory_space<semaphore_mem>>)
    %get3A_253 = arith.constant 0 : index
    %get3A_254 = tpu.vector_load %arg13[%get3A_253] {strides = array<i32>} : memref<512xi32, #tpu.memory_space<vmem>>, vector<16xi32>,
    %eq3A_255 = arith.constant 2 : i32
    %eq3A_256 = vector.broadcast %eq3A_255 : i32 to vector<16xi32>
    %eq3A_257 = arith.cmpi eq, %iota3A, %eq3A_256 : vector<16xi32>
    %jit3A_258 = arith.constant 0 : i32
    %broadcast_in_dim3A_259 = vector.broadcast %jit3A_258 : i32 to vector<16xi32>
    %select_n3A_260 = arith.select %eq3A_257, %get3A_254, %broadcast_in_dim3A_259 : vector<16xi1>, vector<16xi32>
    %reduce_sum3A_261 = arith.constant true
    %reduce_sum3A_262 = vector.broadcast %reduce_sum3A_261 : i1 to vector<16xi1>
    %reduce_sum3A_263 = tpu.scan <sum>, %select_n3A_260 masked %reduce_sum3A_262 : vector<16xi32>, vector<16xi1> -> vector<16xi32>
    %reduce_sum3A_264 = vector.extract %reduce_sum3A_263[15] : i32 from vector<16xi32>
    %jit3A_265 = arith.constant 128 : i32
    %div3A_266 = arith.divsi %reduce_sum3A_264, %jit3A_265 : i32
    %sign3A_267 = arith.constant 0 : i32
    %sign3A_268 = arith.cmpi sgt, %reduce_sum3A_264, %sign3A_267 : i32
    %sign3A_269 = arith.extui %sign3A_268 : i1 to i32
    %sign3A_270 = arith.constant 0 : i32
    %sign3A_271 = arith.cmpi slt, %reduce_sum3A_264, %sign3A_270 : i32
    %sign3A_272 = arith.extui %sign3A_271 : i1 to i32
    %sign3A_273 = arith.subi %sign3A_269, %sign3A_272 : i32
    %sign3A_274 = arith.constant 0 : i32
    %sign3A_275 = arith.cmpi sgt, %jit3A_265, %sign3A_274 : i32
    %sign3A_276 = arith.extui %sign3A_275 : i1 to i32
    %sign3A_277 = arith.constant 0 : i32
    %sign3A_278 = arith.cmpi slt, %jit3A_265, %sign3A_277 : i32
    %sign3A_279 = arith.extui %sign3A_278 : i1 to i32
    %sign3A_280 = arith.subi %sign3A_276, %sign3A_279 : i32
    %ne3A_281 = arith.cmpi ne, %sign3A_273, %sign3A_280 : i32
    %rem3A_282 = arith.remsi %reduce_sum3A_264, %jit3A_265 : i32
    %ne3A_283 = arith.constant 0 : i32
    %ne3A_284 = arith.cmpi ne, %rem3A_282, %ne3A_283 : i32
    %and3A_285 = arith.andi %ne3A_281, %ne3A_284 : i1
    %sub3A_286 = arith.constant 1 : i32
    %sub3A_287 = arith.subi %div3A_266, %sub3A_286 : i32
    %select_n3A_288 = arith.select %and3A_285, %sub3A_287, %div3A_266 : i32
    %mul3A_289 = arith.constant 128 : i32
    %mul3A_290 = arith.muli %select_n3A_288, %mul3A_289 : i32
    %multiple_of3A_291 = tpu.assume_multiple %mul3A_290, 128 : i32
    %dma_start3A_292 = arith.constant 2 : i32
    %dma_start3A_293 = arith.constant 0 : i32
    %dma_start3A_294 = arith.constant 0 : i32
    %dma_start3A_295 = tpu.memref_slice %arg15[%dma_start3A_292, %dma_start3A_293, %dma_start3A_294] : memref<8x32x128xf32, #tpu.memory_space<vmem>> -> memref<1x32x128xf32, #tpu.memory_space<vmem>>
    %dma_start3A_296 = tpu.memref_squeeze %dma_start3A_295 : memref<1x32x128xf32, #tpu.memory_space<vmem>> -> memref<32x128xf32, #tpu.memory_space<vmem>>
    %dma_start3A_297 = arith.constant 0 : i32
    %dma_start3A_298 = tpu.memref_slice %arg5[%dma_start3A_297, %multiple_of3A_291] : memref<32x1000001xf32, #tpu.memory_space<hbm>> -> memref<32x128xf32, #tpu.memory_space<hbm>>
    %dma_start3A_299 = arith.constant 0 : i32
    %dma_start3A_300 = arith.constant 0 : i32
    %dma_start3A_301 = tpu.memref_slice %arg15[%dma_start3A_292, %dma_start3A_299, %dma_start3A_300] : memref<8x32x128xf32, #tpu.memory_space<vmem>> -> memref<1x32x128xf32, #tpu.memory_space<vmem>>
    %dma_start3A_302 = tpu.memref_squeeze %dma_start3A_301 : memref<1x32x128xf32, #tpu.memory_space<vmem>> -> memref<32x128xf32, #tpu.memory_space<vmem>>
    %dma_start3A_303 = arith.constant 0 : i32
    %dma_start3A_304 = tpu.memref_slice %arg5[%dma_start3A_303, %multiple_of3A_291] : memref<32x1000001xf32, #tpu.memory_space<hbm>> -> memref<32x128xf32, #tpu.memory_space<hbm>>
    tpu.enqueue_dma source(%dma_start3A_304 : memref<32x128xf32, #tpu.memory_space<hbm>>) target(%dma_start3A_302 : memref<32x128xf32, #tpu.memory_space<vmem>>) target_semaphore(%arg21 : memref<!tpu.dma_semaphore, #tpu.memory_space<semaphore_mem>>)
    %get3A_305 = arith.constant 0 : index
    %get3A_306 = tpu.vector_load %arg12[%get3A_305] {strides = array<i32>} : memref<512xi32, #tpu.memory_space<vmem>>, vector<16xi32>,
    %eq3A_307 = arith.constant 3 : i32
    %eq3A_308 = vector.broadcast %eq3A_307 : i32 to vector<16xi32>
    %eq3A_309 = arith.cmpi eq, %iota3A, %eq3A_308 : vector<16xi32>
    %jit3A_310 = arith.constant 0 : i32
    %broadcast_in_dim3A_311 = vector.broadcast %jit3A_310 : i32 to vector<16xi32>
    %select_n3A_312 = arith.select %eq3A_309, %get3A_306, %broadcast_in_dim3A_311 : vector<16xi1>, vector<16xi32>
    %reduce_sum3A_313 = arith.constant true
    %reduce_sum3A_314 = vector.broadcast %reduce_sum3A_313 : i1 to vector<16xi1>
    %reduce_sum3A_315 = tpu.scan <sum>, %select_n3A_312 masked %reduce_sum3A_314 : vector<16xi32>, vector<16xi1> -> vector<16xi32>
    %reduce_sum3A_316 = vector.extract %reduce_sum3A_315[15] : i32 from vector<16xi32>
    %jit3A_317 = arith.constant 128 : i32
    %div3A_318 = arith.divsi %reduce_sum3A_316, %jit3A_317 : i32
    %sign3A_319 = arith.constant 0 : i32
    %sign3A_320 = arith.cmpi sgt, %reduce_sum3A_316, %sign3A_319 : i32
    %sign3A_321 = arith.extui %sign3A_320 : i1 to i32
    %sign3A_322 = arith.constant 0 : i32
    %sign3A_323 = arith.cmpi slt, %reduce_sum3A_316, %sign3A_322 : i32
    %sign3A_324 = arith.extui %sign3A_323 : i1 to i32
    %sign3A_325 = arith.subi %sign3A_321, %sign3A_324 : i32
    %sign3A_326 = arith.constant 0 : i32
    %sign3A_327 = arith.cmpi sgt, %jit3A_317, %sign3A_326 : i32
    %sign3A_328 = arith.extui %sign3A_327 : i1 to i32
    %sign3A_329 = arith.constant 0 : i32
    %sign3A_330 = arith.cmpi slt, %jit3A_317, %sign3A_329 : i32
    %sign3A_331 = arith.extui %sign3A_330 : i1 to i32
    %sign3A_332 = arith.subi %sign3A_328, %sign3A_331 : i32
    %ne3A_333 = arith.cmpi ne, %sign3A_325, %sign3A_332 : i32
    %rem3A_334 = arith.remsi %reduce_sum3A_316, %jit3A_317 : i32
    %ne3A_335 = arith.constant 0 : i32
    %ne3A_336 = arith.cmpi ne, %rem3A_334, %ne3A_335 : i32
    %and3A_337 = arith.andi %ne3A_333, %ne3A_336 : i1
    %sub3A_338 = arith.constant 1 : i32
    %sub3A_339 = arith.subi %div3A_318, %sub3A_338 : i32
    %select_n3A_340 = arith.select %and3A_337, %sub3A_339, %div3A_318 : i32
    %mul3A_341 = arith.constant 128 : i32
    %mul3A_342 = arith.muli %select_n3A_340, %mul3A_341 : i32
    %multiple_of3A_343 = tpu.assume_multiple %mul3A_342, 128 : i32
    %dma_start3A_344 = arith.constant 3 : i32
    %dma_start3A_345 = arith.constant 0 : i32
    %dma_start3A_346 = arith.constant 0 : i32
    %dma_start3A_347 = tpu.memref_slice %arg14[%dma_start3A_344, %dma_start3A_345, %dma_start3A_346] : memref<8x32x128xf32, #tpu.memory_space<vmem>> -> memref<1x32x128xf32, #tpu.memory_space<vmem>>
    %dma_start3A_348 = tpu.memref_squeeze %dma_start3A_347 : memref<1x32x128xf32, #tpu.memory_space<vmem>> -> memref<32x128xf32, #tpu.memory_space<vmem>>
    %dma_start3A_349 = arith.constant 0 : i32
    %dma_start3A_350 = tpu.memref_slice %arg4[%dma_start3A_349, %multiple_of3A_343] : memref<32x1000001xf32, #tpu.memory_space<hbm>> -> memref<32x128xf32, #tpu.memory_space<hbm>>
    %dma_start3A_351 = arith.constant 0 : i32
    %dma_start3A_352 = arith.constant 0 : i32
    %dma_start3A_353 = tpu.memref_slice %arg14[%dma_start3A_344, %dma_start3A_351, %dma_start3A_352] : memref<8x32x128xf32, #tpu.memory_space<vmem>> -> memref<1x32x128xf32, #tpu.memory_space<vmem>>
    %dma_start3A_354 = tpu.memref_squeeze %dma_start3A_353 : memref<1x32x128xf32, #tpu.memory_space<vmem>> -> memref<32x128xf32, #tpu.memory_space<vmem>>
    %dma_start3A_355 = arith.constant 0 : i32
    %dma_start3A_356 = tpu.memref_slice %arg4[%dma_start3A_355, %multiple_of3A_343] : memref<32x1000001xf32, #tpu.memory_space<hbm>> -> memref<32x128xf32, #tpu.memory_space<hbm>>
    tpu.enqueue_dma source(%dma_start3A_356 : memref<32x128xf32, #tpu.memory_space<hbm>>) target(%dma_start3A_354 : memref<32x128xf32, #tpu.memory_space<vmem>>) target_semaphore(%arg20 : memref<!tpu.dma_semaphore, #tpu.memory_space<semaphore_mem>>)
    %get3A_357 = arith.constant 0 : index
    %get3A_358 = tpu.vector_load %arg13[%get3A_357] {strides = array<i32>} : memref<512xi32, #tpu.memory_space<vmem>>, vector<16xi32>,
    %eq3A_359 = arith.constant 3 : i32
    %eq3A_360 = vector.broadcast %eq3A_359 : i32 to vector<16xi32>
    %eq3A_361 = arith.cmpi eq, %iota3A, %eq3A_360 : vector<16xi32>
    %jit3A_362 = arith.constant 0 : i32
    %broadcast_in_dim3A_363 = vector.broadcast %jit3A_362 : i32 to vector<16xi32>
    %select_n3A_364 = arith.select %eq3A_361, %get3A_358, %broadcast_in_dim3A_363 : vector<16xi1>, vector<16xi32>
    %reduce_sum3A_365 = arith.constant true
    %reduce_sum3A_366 = vector.broadcast %reduce_sum3A_365 : i1 to vector<16xi1>
    %reduce_sum3A_367 = tpu.scan <sum>, %select_n3A_364 masked %reduce_sum3A_366 : vector<16xi32>, vector<16xi1> -> vector<16xi32>
    %reduce_sum3A_368 = vector.extract %reduce_sum3A_367[15] : i32 from vector<16xi32>
    %jit3A_369 = arith.constant 128 : i32
    %div3A_370 = arith.divsi %reduce_sum3A_368, %jit3A_369 : i32
    %sign3A_371 = arith.constant 0 : i32
    %sign3A_372 = arith.cmpi sgt, %reduce_sum3A_368, %sign3A_371 : i32
    %sign3A_373 = arith.extui %sign3A_372 : i1 to i32
    %sign3A_374 = arith.constant 0 : i32
    %sign3A_375 = arith.cmpi slt, %reduce_sum3A_368, %sign3A_374 : i32
    %sign3A_376 = arith.extui %sign3A_375 : i1 to i32
    %sign3A_377 = arith.subi %sign3A_373, %sign3A_376 : i32
    %sign3A_378 = arith.constant 0 : i32
    %sign3A_379 = arith.cmpi sgt, %jit3A_369, %sign3A_378 : i32
    %sign3A_380 = arith.extui %sign3A_379 : i1 to i32
    %sign3A_381 = arith.constant 0 : i32
    %sign3A_382 = arith.cmpi slt, %jit3A_369, %sign3A_381 : i32
    %sign3A_383 = arith.extui %sign3A_382 : i1 to i32
    %sign3A_384 = arith.subi %sign3A_380, %sign3A_383 : i32
    %ne3A_385 = arith.cmpi ne, %sign3A_377, %sign3A_384 : i32
    %rem3A_386 = arith.remsi %reduce_sum3A_368, %jit3A_369 : i32
    %ne3A_387 = arith.constant 0 : i32
    %ne3A_388 = arith.cmpi ne, %rem3A_386, %ne3A_387 : i32
    %and3A_389 = arith.andi %ne3A_385, %ne3A_388 : i1
    %sub3A_390 = arith.constant 1 : i32
    %sub3A_391 = arith.subi %div3A_370, %sub3A_390 : i32
    %select_n3A_392 = arith.select %and3A_389, %sub3A_391, %div3A_370 : i32
    %mul3A_393 = arith.constant 128 : i32
    %mul3A_394 = arith.muli %select_n3A_392, %mul3A_393 : i32
    %multiple_of3A_395 = tpu.assume_multiple %mul3A_394, 128 : i32
    %dma_start3A_396 = arith.constant 3 : i32
    %dma_start3A_397 = arith.constant 0 : i32
    %dma_start3A_398 = arith.constant 0 : i32
    %dma_start3A_399 = tpu.memref_slice %arg15[%dma_start3A_396, %dma_start3A_397, %dma_start3A_398] : memref<8x32x128xf32, #tpu.memory_space<vmem>> -> memref<1x32x128xf32, #tpu.memory_space<vmem>>
    %dma_start3A_400 = tpu.memref_squeeze %dma_start3A_399 : memref<1x32x128xf32, #tpu.memory_space<vmem>> -> memref<32x128xf32, #tpu.memory_space<vmem>>
    %dma_start3A_401 = arith.constant 0 : i32
    %dma_start3A_402 = tpu.memref_slice %arg5[%dma_start3A_401, %multiple_of3A_395] : memref<32x1000001xf32, #tpu.memory_space<hbm>> -> memref<32x128xf32, #tpu.memory_space<hbm>>
    %dma_start3A_403 = arith.constant 0 : i32
    %dma_start3A_404 = arith.constant 0 : i32
    %dma_start3A_405 = tpu.memref_slice %arg15[%dma_start3A_396, %dma_start3A_403, %dma_start3A_404] : memref<8x32x128xf32, #tpu.memory_space<vmem>> -> memref<1x32x128xf32, #tpu.memory_space<vmem>>
    %dma_start3A_406 = tpu.memref_squeeze %dma_start3A_405 : memref<1x32x128xf32, #tpu.memory_space<vmem>> -> memref<32x128xf32, #tpu.memory_space<vmem>>
    %dma_start3A_407 = arith.constant 0 : i32
    %dma_start3A_408 = tpu.memref_slice %arg5[%dma_start3A_407, %multiple_of3A_395] : memref<32x1000001xf32, #tpu.memory_space<hbm>> -> memref<32x128xf32, #tpu.memory_space<hbm>>
    tpu.enqueue_dma source(%dma_start3A_408 : memref<32x128xf32, #tpu.memory_space<hbm>>) target(%dma_start3A_406 : memref<32x128xf32, #tpu.memory_space<vmem>>) target_semaphore(%arg21 : memref<!tpu.dma_semaphore, #tpu.memory_space<semaphore_mem>>)
    %get3A_409 = arith.constant 0 : index
    %get3A_410 = tpu.vector_load %arg12[%get3A_409] {strides = array<i32>} : memref<512xi32, #tpu.memory_space<vmem>>, vector<16xi32>,
    %eq3A_411 = arith.constant 4 : i32
    %eq3A_412 = vector.broadcast %eq3A_411 : i32 to vector<16xi32>
    %eq3A_413 = arith.cmpi eq, %iota3A, %eq3A_412 : vector<16xi32>
    %jit3A_414 = arith.constant 0 : i32
    %broadcast_in_dim3A_415 = vector.broadcast %jit3A_414 : i32 to vector<16xi32>
    %select_n3A_416 = arith.select %eq3A_413, %get3A_410, %broadcast_in_dim3A_415 : vector<16xi1>, vector<16xi32>
    %reduce_sum3A_417 = arith.constant true
    %reduce_sum3A_418 = vector.broadcast %reduce_sum3A_417 : i1 to vector<16xi1>
    %reduce_sum3A_419 = tpu.scan <sum>, %select_n3A_416 masked %reduce_sum3A_418 : vector<16xi32>, vector<16xi1> -> vector<16xi32>
    %reduce_sum3A_420 = vector.extract %reduce_sum3A_419[15] : i32 from vector<16xi32>
    %jit3A_421 = arith.constant 128 : i32
    %div3A_422 = arith.divsi %reduce_sum3A_420, %jit3A_421 : i32
    %sign3A_423 = arith.constant 0 : i32
    %sign3A_424 = arith.cmpi sgt, %reduce_sum3A_420, %sign3A_423 : i32
    %sign3A_425 = arith.extui %sign3A_424 : i1 to i32
    %sign3A_426 = arith.constant 0 : i32
    %sign3A_427 = arith.cmpi slt, %reduce_sum3A_420, %sign3A_426 : i32
    %sign3A_428 = arith.extui %sign3A_427 : i1 to i32
    %sign3A_429 = arith.subi %sign3A_425, %sign3A_428 : i32
    %sign3A_430 = arith.constant 0 : i32
    %sign3A_431 = arith.cmpi sgt, %jit3A_421, %sign3A_430 : i32
    %sign3A_432 = arith.extui %sign3A_431 : i1 to i32
    %sign3A_433 = arith.constant 0 : i32
    %sign3A_434 = arith.cmpi slt, %jit3A_421, %sign3A_433 : i32
    %sign3A_435 = arith.extui %sign3A_434 : i1 to i32
    %sign3A_436 = arith.subi %sign3A_432, %sign3A_435 : i32
    %ne3A_437 = arith.cmpi ne, %sign3A_429, %sign3A_436 : i32
    %rem3A_438 = arith.remsi %reduce_sum3A_420, %jit3A_421 : i32
    %ne3A_439 = arith.constant 0 : i32
    %ne3A_440 = arith.cmpi ne, %rem3A_438, %ne3A_439 : i32
    %and3A_441 = arith.andi %ne3A_437, %ne3A_440 : i1
    %sub3A_442 = arith.constant 1 : i32
    %sub3A_443 = arith.subi %div3A_422, %sub3A_442 : i32
    %select_n3A_444 = arith.select %and3A_441, %sub3A_443, %div3A_422 : i32
    %mul3A_445 = arith.constant 128 : i32
    %mul3A_446 = arith.muli %select_n3A_444, %mul3A_445 : i32
    %multiple_of3A_447 = tpu.assume_multiple %mul3A_446, 128 : i32
    %dma_start3A_448 = arith.constant 4 : i32
    %dma_start3A_449 = arith.constant 0 : i32
    %dma_start3A_450 = arith.constant 0 : i32
    %dma_start3A_451 = tpu.memref_slice %arg14[%dma_start3A_448, %dma_start3A_449, %dma_start3A_450] : memref<8x32x128xf32, #tpu.memory_space<vmem>> -> memref<1x32x128xf32, #tpu.memory_space<vmem>>
    %dma_start3A_452 = tpu.memref_squeeze %dma_start3A_451 : memref<1x32x128xf32, #tpu.memory_space<vmem>> -> memref<32x128xf32, #tpu.memory_space<vmem>>
    %dma_start3A_453 = arith.constant 0 : i32
    %dma_start3A_454 = tpu.memref_slice %arg4[%dma_start3A_453, %multiple_of3A_447] : memref<32x1000001xf32, #tpu.memory_space<hbm>> -> memref<32x128xf32, #tpu.memory_space<hbm>>
    %dma_start3A_455 = arith.constant 0 : i32
    %dma_start3A_456 = arith.constant 0 : i32
    %dma_start3A_457 = tpu.memref_slice %arg14[%dma_start3A_448, %dma_start3A_455, %dma_start3A_456] : memref<8x32x128xf32, #tpu.memory_space<vmem>> -> memref<1x32x128xf32, #tpu.memory_space<vmem>>
    %dma_start3A_458 = tpu.memref_squeeze %dma_start3A_457 : memref<1x32x128xf32, #tpu.memory_space<vmem>> -> memref<32x128xf32, #tpu.memory_space<vmem>>
    %dma_start3A_459 = arith.constant 0 : i32
    %dma_start3A_460 = tpu.memref_slice %arg4[%dma_start3A_459, %multiple_of3A_447] : memref<32x1000001xf32, #tpu.memory_space<hbm>> -> memref<32x128xf32, #tpu.memory_space<hbm>>
    tpu.enqueue_dma source(%dma_start3A_460 : memref<32x128xf32, #tpu.memory_space<hbm>>) target(%dma_start3A_458 : memref<32x128xf32, #tpu.memory_space<vmem>>) target_semaphore(%arg20 : memref<!tpu.dma_semaphore, #tpu.memory_space<semaphore_mem>>)
    %get3A_461 = arith.constant 0 : index
    %get3A_462 = tpu.vector_load %arg13[%get3A_461] {strides = array<i32>} : memref<512xi32, #tpu.memory_space<vmem>>, vector<16xi32>,
    %eq3A_463 = arith.constant 4 : i32
    %eq3A_464 = vector.broadcast %eq3A_463 : i32 to vector<16xi32>
    %eq3A_465 = arith.cmpi eq, %iota3A, %eq3A_464 : vector<16xi32>
    %jit3A_466 = arith.constant 0 : i32
    %broadcast_in_dim3A_467 = vector.broadcast %jit3A_466 : i32 to vector<16xi32>
    %select_n3A_468 = arith.select %eq3A_465, %get3A_462, %broadcast_in_dim3A_467 : vector<16xi1>, vector<16xi32>
    %reduce_sum3A_469 = arith.constant true
    %reduce_sum3A_470 = vector.broadcast %reduce_sum3A_469 : i1 to vector<16xi1>
    %reduce_sum3A_471 = tpu.scan <sum>, %select_n3A_468 masked %reduce_sum3A_470 : vector<16xi32>, vector<16xi1> -> vector<16xi32>
    %reduce_sum3A_472 = vector.extract %reduce_sum3A_471[15] : i32 from vector<16xi32>
    %jit3A_473 = arith.constant 128 : i32
    %div3A_474 = arith.divsi %reduce_sum3A_472, %jit3A_473 : i32
    %sign3A_475 = arith.constant 0 : i32
    %sign3A_476 = arith.cmpi sgt, %reduce_sum3A_472, %sign3A_475 : i32
    %sign3A_477 = arith.extui %sign3A_476 : i1 to i32
    %sign3A_478 = arith.constant 0 : i32
    %sign3A_479 = arith.cmpi slt, %reduce_sum3A_472, %sign3A_478 : i32
    %sign3A_480 = arith.extui %sign3A_479 : i1 to i32
    %sign3A_481 = arith.subi %sign3A_477, %sign3A_480 : i32
    %sign3A_482 = arith.constant 0 : i32
    %sign3A_483 = arith.cmpi sgt, %jit3A_473, %sign3A_482 : i32
    %sign3A_484 = arith.extui %sign3A_483 : i1 to i32
    %sign3A_485 = arith.constant 0 : i32
    %sign3A_486 = arith.cmpi slt, %jit3A_473, %sign3A_485 : i32
    %sign3A_487 = arith.extui %sign3A_486 : i1 to i32
    %sign3A_488 = arith.subi %sign3A_484, %sign3A_487 : i32
    %ne3A_489 = arith.cmpi ne, %sign3A_481, %sign3A_488 : i32
    %rem3A_490 = arith.remsi %reduce_sum3A_472, %jit3A_473 : i32
    %ne3A_491 = arith.constant 0 : i32
    %ne3A_492 = arith.cmpi ne, %rem3A_490, %ne3A_491 : i32
    %and3A_493 = arith.andi %ne3A_489, %ne3A_492 : i1
    %sub3A_494 = arith.constant 1 : i32
    %sub3A_495 = arith.subi %div3A_474, %sub3A_494 : i32
    %select_n3A_496 = arith.select %and3A_493, %sub3A_495, %div3A_474 : i32
    %mul3A_497 = arith.constant 128 : i32
    %mul3A_498 = arith.muli %select_n3A_496, %mul3A_497 : i32
    %multiple_of3A_499 = tpu.assume_multiple %mul3A_498, 128 : i32
    %dma_start3A_500 = arith.constant 4 : i32
    %dma_start3A_501 = arith.constant 0 : i32
    %dma_start3A_502 = arith.constant 0 : i32
    %dma_start3A_503 = tpu.memref_slice %arg15[%dma_start3A_500, %dma_start3A_501, %dma_start3A_502] : memref<8x32x128xf32, #tpu.memory_space<vmem>> -> memref<1x32x128xf32, #tpu.memory_space<vmem>>
    %dma_start3A_504 = tpu.memref_squeeze %dma_start3A_503 : memref<1x32x128xf32, #tpu.memory_space<vmem>> -> memref<32x128xf32, #tpu.memory_space<vmem>>
    %dma_start3A_505 = arith.constant 0 : i32
    %dma_start3A_506 = tpu.memref_slice %arg5[%dma_start3A_505, %multiple_of3A_499] : memref<32x1000001xf32, #tpu.memory_space<hbm>> -> memref<32x128xf32, #tpu.memory_space<hbm>>
    %dma_start3A_507 = arith.constant 0 : i32
    %dma_start3A_508 = arith.constant 0 : i32
    %dma_start3A_509 = tpu.memref_slice %arg15[%dma_start3A_500, %dma_start3A_507, %dma_start3A_508] : memref<8x32x128xf32, #tpu.memory_space<vmem>> -> memref<1x32x128xf32, #tpu.memory_space<vmem>>
    %dma_start3A_510 = tpu.memref_squeeze %dma_start3A_509 : memref<1x32x128xf32, #tpu.memory_space<vmem>> -> memref<32x128xf32, #tpu.memory_space<vmem>>
    %dma_start3A_511 = arith.constant 0 : i32
    %dma_start3A_512 = tpu.memref_slice %arg5[%dma_start3A_511, %multiple_of3A_499] : memref<32x1000001xf32, #tpu.memory_space<hbm>> -> memref<32x128xf32, #tpu.memory_space<hbm>>
    tpu.enqueue_dma source(%dma_start3A_512 : memref<32x128xf32, #tpu.memory_space<hbm>>) target(%dma_start3A_510 : memref<32x128xf32, #tpu.memory_space<vmem>>) target_semaphore(%arg21 : memref<!tpu.dma_semaphore, #tpu.memory_space<semaphore_mem>>)
    %get3A_513 = arith.constant 0 : index
    %get3A_514 = tpu.vector_load %arg12[%get3A_513] {strides = array<i32>} : memref<512xi32, #tpu.memory_space<vmem>>, vector<16xi32>,
    %eq3A_515 = arith.constant 5 : i32
    %eq3A_516 = vector.broadcast %eq3A_515 : i32 to vector<16xi32>
    %eq3A_517 = arith.cmpi eq, %iota3A, %eq3A_516 : vector<16xi32>
    %jit3A_518 = arith.constant 0 : i32
    %broadcast_in_dim3A_519 = vector.broadcast %jit3A_518 : i32 to vector<16xi32>
    %select_n3A_520 = arith.select %eq3A_517, %get3A_514, %broadcast_in_dim3A_519 : vector<16xi1>, vector<16xi32>
    %reduce_sum3A_521 = arith.constant true
    %reduce_sum3A_522 = vector.broadcast %reduce_sum3A_521 : i1 to vector<16xi1>
    %reduce_sum3A_523 = tpu.scan <sum>, %select_n3A_520 masked %reduce_sum3A_522 : vector<16xi32>, vector<16xi1> -> vector<16xi32>
    %reduce_sum3A_524 = vector.extract %reduce_sum3A_523[15] : i32 from vector<16xi32>
    %jit3A_525 = arith.constant 128 : i32
    %div3A_526 = arith.divsi %reduce_sum3A_524, %jit3A_525 : i32
    %sign3A_527 = arith.constant 0 : i32
    %sign3A_528 = arith.cmpi sgt, %reduce_sum3A_524, %sign3A_527 : i32
    %sign3A_529 = arith.extui %sign3A_528 : i1 to i32
    %sign3A_530 = arith.constant 0 : i32
    %sign3A_531 = arith.cmpi slt, %reduce_sum3A_524, %sign3A_530 : i32
    %sign3A_532 = arith.extui %sign3A_531 : i1 to i32
    %sign3A_533 = arith.subi %sign3A_529, %sign3A_532 : i32
    %sign3A_534 = arith.constant 0 : i32
    %sign3A_535 = arith.cmpi sgt, %jit3A_525, %sign3A_534 : i32
    %sign3A_536 = arith.extui %sign3A_535 : i1 to i32
    %sign3A_537 = arith.constant 0 : i32
    %sign3A_538 = arith.cmpi slt, %jit3A_525, %sign3A_537 : i32
    %sign3A_539 = arith.extui %sign3A_538 : i1 to i32
    %sign3A_540 = arith.subi %sign3A_536, %sign3A_539 : i32
    %ne3A_541 = arith.cmpi ne, %sign3A_533, %sign3A_540 : i32
    %rem3A_542 = arith.remsi %reduce_sum3A_524, %jit3A_525 : i32
    %ne3A_543 = arith.constant 0 : i32
    %ne3A_544 = arith.cmpi ne, %rem3A_542, %ne3A_543 : i32
    %and3A_545 = arith.andi %ne3A_541, %ne3A_544 : i1
    %sub3A_546 = arith.constant 1 : i32
    %sub3A_547 = arith.subi %div3A_526, %sub3A_546 : i32
    %select_n3A_548 = arith.select %and3A_545, %sub3A_547, %div3A_526 : i32
    %mul3A_549 = arith.constant 128 : i32
    %mul3A_550 = arith.muli %select_n3A_548, %mul3A_549 : i32
    %multiple_of3A_551 = tpu.assume_multiple %mul3A_550, 128 : i32
    %dma_start3A_552 = arith.constant 5 : i32
    %dma_start3A_553 = arith.constant 0 : i32
    %dma_start3A_554 = arith.constant 0 : i32
    %dma_start3A_555 = tpu.memref_slice %arg14[%dma_start3A_552, %dma_start3A_553, %dma_start3A_554] : memref<8x32x128xf32, #tpu.memory_space<vmem>> -> memref<1x32x128xf32, #tpu.memory_space<vmem>>
    %dma_start3A_556 = tpu.memref_squeeze %dma_start3A_555 : memref<1x32x128xf32, #tpu.memory_space<vmem>> -> memref<32x128xf32, #tpu.memory_space<vmem>>
    %dma_start3A_557 = arith.constant 0 : i32
    %dma_start3A_558 = tpu.memref_slice %arg4[%dma_start3A_557, %multiple_of3A_551] : memref<32x1000001xf32, #tpu.memory_space<hbm>> -> memref<32x128xf32, #tpu.memory_space<hbm>>
    %dma_start3A_559 = arith.constant 0 : i32
    %dma_start3A_560 = arith.constant 0 : i32
    %dma_start3A_561 = tpu.memref_slice %arg14[%dma_start3A_552, %dma_start3A_559, %dma_start3A_560] : memref<8x32x128xf32, #tpu.memory_space<vmem>> -> memref<1x32x128xf32, #tpu.memory_space<vmem>>
    %dma_start3A_562 = tpu.memref_squeeze %dma_start3A_561 : memref<1x32x128xf32, #tpu.memory_space<vmem>> -> memref<32x128xf32, #tpu.memory_space<vmem>>
    %dma_start3A_563 = arith.constant 0 : i32
    %dma_start3A_564 = tpu.memref_slice %arg4[%dma_start3A_563, %multiple_of3A_551] : memref<32x1000001xf32, #tpu.memory_space<hbm>> -> memref<32x128xf32, #tpu.memory_space<hbm>>
    tpu.enqueue_dma source(%dma_start3A_564 : memref<32x128xf32, #tpu.memory_space<hbm>>) target(%dma_start3A_562 : memref<32x128xf32, #tpu.memory_space<vmem>>) target_semaphore(%arg20 : memref<!tpu.dma_semaphore, #tpu.memory_space<semaphore_mem>>)
    %get3A_565 = arith.constant 0 : index
    %get3A_566 = tpu.vector_load %arg13[%get3A_565] {strides = array<i32>} : memref<512xi32, #tpu.memory_space<vmem>>, vector<16xi32>,
    %eq3A_567 = arith.constant 5 : i32
    %eq3A_568 = vector.broadcast %eq3A_567 : i32 to vector<16xi32>
    %eq3A_569 = arith.cmpi eq, %iota3A, %eq3A_568 : vector<16xi32>
    %jit3A_570 = arith.constant 0 : i32
    %broadcast_in_dim3A_571 = vector.broadcast %jit3A_570 : i32 to vector<16xi32>
    %select_n3A_572 = arith.select %eq3A_569, %get3A_566, %broadcast_in_dim3A_571 : vector<16xi1>, vector<16xi32>
    %reduce_sum3A_573 = arith.constant true
    %reduce_sum3A_574 = vector.broadcast %reduce_sum3A_573 : i1 to vector<16xi1>
    %reduce_sum3A_575 = tpu.scan <sum>, %select_n3A_572 masked %reduce_sum3A_574 : vector<16xi32>, vector<16xi1> -> vector<16xi32>
    %reduce_sum3A_576 = vector.extract %reduce_sum3A_575[15] : i32 from vector<16xi32>
    %jit3A_577 = arith.constant 128 : i32
    %div3A_578 = arith.divsi %reduce_sum3A_576, %jit3A_577 : i32
    %sign3A_579 = arith.constant 0 : i32
    %sign3A_580 = arith.cmpi sgt, %reduce_sum3A_576, %sign3A_579 : i32
    %sign3A_581 = arith.extui %sign3A_580 : i1 to i32
    %sign3A_582 = arith.constant 0 : i32
    %sign3A_583 = arith.cmpi slt, %reduce_sum3A_576, %sign3A_582 : i32
    %sign3A_584 = arith.extui %sign3A_583 : i1 to i32
    %sign3A_585 = arith.subi %sign3A_581, %sign3A_584 : i32
    %sign3A_586 = arith.constant 0 : i32
    %sign3A_587 = arith.cmpi sgt, %jit3A_577, %sign3A_586 : i32
    %sign3A_588 = arith.extui %sign3A_587 : i1 to i32
    %sign3A_589 = arith.constant 0 : i32
    %sign3A_590 = arith.cmpi slt, %jit3A_577, %sign3A_589 : i32
    %sign3A_591 = arith.extui %sign3A_590 : i1 to i32
    %sign3A_592 = arith.subi %sign3A_588, %sign3A_591 : i32
    %ne3A_593 = arith.cmpi ne, %sign3A_585, %sign3A_592 : i32
    %rem3A_594 = arith.remsi %reduce_sum3A_576, %jit3A_577 : i32
    %ne3A_595 = arith.constant 0 : i32
    %ne3A_596 = arith.cmpi ne, %rem3A_594, %ne3A_595 : i32
    %and3A_597 = arith.andi %ne3A_593, %ne3A_596 : i1
    %sub3A_598 = arith.constant 1 : i32
    %sub3A_599 = arith.subi %div3A_578, %sub3A_598 : i32
    %select_n3A_600 = arith.select %and3A_597, %sub3A_599, %div3A_578 : i32
    %mul3A_601 = arith.constant 128 : i32
    %mul3A_602 = arith.muli %select_n3A_600, %mul3A_601 : i32
    %multiple_of3A_603 = tpu.assume_multiple %mul3A_602, 128 : i32
    %dma_start3A_604 = arith.constant 5 : i32
    %dma_start3A_605 = arith.constant 0 : i32
    %dma_start3A_606 = arith.constant 0 : i32
    %dma_start3A_607 = tpu.memref_slice %arg15[%dma_start3A_604, %dma_start3A_605, %dma_start3A_606] : memref<8x32x128xf32, #tpu.memory_space<vmem>> -> memref<1x32x128xf32, #tpu.memory_space<vmem>>
    %dma_start3A_608 = tpu.memref_squeeze %dma_start3A_607 : memref<1x32x128xf32, #tpu.memory_space<vmem>> -> memref<32x128xf32, #tpu.memory_space<vmem>>
    %dma_start3A_609 = arith.constant 0 : i32
    %dma_start3A_610 = tpu.memref_slice %arg5[%dma_start3A_609, %multiple_of3A_603] : memref<32x1000001xf32, #tpu.memory_space<hbm>> -> memref<32x128xf32, #tpu.memory_space<hbm>>
    %dma_start3A_611 = arith.constant 0 : i32
    %dma_start3A_612 = arith.constant 0 : i32
    %dma_start3A_613 = tpu.memref_slice %arg15[%dma_start3A_604, %dma_start3A_611, %dma_start3A_612] : memref<8x32x128xf32, #tpu.memory_space<vmem>> -> memref<1x32x128xf32, #tpu.memory_space<vmem>>
    %dma_start3A_614 = tpu.memref_squeeze %dma_start3A_613 : memref<1x32x128xf32, #tpu.memory_space<vmem>> -> memref<32x128xf32, #tpu.memory_space<vmem>>
    %dma_start3A_615 = arith.constant 0 : i32
    %dma_start3A_616 = tpu.memref_slice %arg5[%dma_start3A_615, %multiple_of3A_603] : memref<32x1000001xf32, #tpu.memory_space<hbm>> -> memref<32x128xf32, #tpu.memory_space<hbm>>
    tpu.enqueue_dma source(%dma_start3A_616 : memref<32x128xf32, #tpu.memory_space<hbm>>) target(%dma_start3A_614 : memref<32x128xf32, #tpu.memory_space<vmem>>) target_semaphore(%arg21 : memref<!tpu.dma_semaphore, #tpu.memory_space<semaphore_mem>>)
    %get3A_617 = arith.constant 0 : index
    %get3A_618 = tpu.vector_load %arg12[%get3A_617] {strides = array<i32>} : memref<512xi32, #tpu.memory_space<vmem>>, vector<16xi32>,
    %eq3A_619 = arith.constant 6 : i32
    %eq3A_620 = vector.broadcast %eq3A_619 : i32 to vector<16xi32>
    %eq3A_621 = arith.cmpi eq, %iota3A, %eq3A_620 : vector<16xi32>
    %jit3A_622 = arith.constant 0 : i32
    %broadcast_in_dim3A_623 = vector.broadcast %jit3A_622 : i32 to vector<16xi32>
    %select_n3A_624 = arith.select %eq3A_621, %get3A_618, %broadcast_in_dim3A_623 : vector<16xi1>, vector<16xi32>
    %reduce_sum3A_625 = arith.constant true
    %reduce_sum3A_626 = vector.broadcast %reduce_sum3A_625 : i1 to vector<16xi1>
    %reduce_sum3A_627 = tpu.scan <sum>, %select_n3A_624 masked %reduce_sum3A_626 : vector<16xi32>, vector<16xi1> -> vector<16xi32>
    %reduce_sum3A_628 = vector.extract %reduce_sum3A_627[15] : i32 from vector<16xi32>
    %jit3A_629 = arith.constant 128 : i32
    %div3A_630 = arith.divsi %reduce_sum3A_628, %jit3A_629 : i32
    %sign3A_631 = arith.constant 0 : i32
    %sign3A_632 = arith.cmpi sgt, %reduce_sum3A_628, %sign3A_631 : i32
    %sign3A_633 = arith.extui %sign3A_632 : i1 to i32
    %sign3A_634 = arith.constant 0 : i32
    %sign3A_635 = arith.cmpi slt, %reduce_sum3A_628, %sign3A_634 : i32
    %sign3A_636 = arith.extui %sign3A_635 : i1 to i32
    %sign3A_637 = arith.subi %sign3A_633, %sign3A_636 : i32
    %sign3A_638 = arith.constant 0 : i32
    %sign3A_639 = arith.cmpi sgt, %jit3A_629, %sign3A_638 : i32
    %sign3A_640 = arith.extui %sign3A_639 : i1 to i32
    %sign3A_641 = arith.constant 0 : i32
    %sign3A_642 = arith.cmpi slt, %jit3A_629, %sign3A_641 : i32
    %sign3A_643 = arith.extui %sign3A_642 : i1 to i32
    %sign3A_644 = arith.subi %sign3A_640, %sign3A_643 : i32
    %ne3A_645 = arith.cmpi ne, %sign3A_637, %sign3A_644 : i32
    %rem3A_646 = arith.remsi %reduce_sum3A_628, %jit3A_629 : i32
    %ne3A_647 = arith.constant 0 : i32
    %ne3A_648 = arith.cmpi ne, %rem3A_646, %ne3A_647 : i32
    %and3A_649 = arith.andi %ne3A_645, %ne3A_648 : i1
    %sub3A_650 = arith.constant 1 : i32
    %sub3A_651 = arith.subi %div3A_630, %sub3A_650 : i32
    %select_n3A_652 = arith.select %and3A_649, %sub3A_651, %div3A_630 : i32
    %mul3A_653 = arith.constant 128 : i32
    %mul3A_654 = arith.muli %select_n3A_652, %mul3A_653 : i32
    %multiple_of3A_655 = tpu.assume_multiple %mul3A_654, 128 : i32
    %dma_start3A_656 = arith.constant 6 : i32
    %dma_start3A_657 = arith.constant 0 : i32
    %dma_start3A_658 = arith.constant 0 : i32
    %dma_start3A_659 = tpu.memref_slice %arg14[%dma_start3A_656, %dma_start3A_657, %dma_start3A_658] : memref<8x32x128xf32, #tpu.memory_space<vmem>> -> memref<1x32x128xf32, #tpu.memory_space<vmem>>
    %dma_start3A_660 = tpu.memref_squeeze %dma_start3A_659 : memref<1x32x128xf32, #tpu.memory_space<vmem>> -> memref<32x128xf32, #tpu.memory_space<vmem>>
    %dma_start3A_661 = arith.constant 0 : i32
    %dma_start3A_662 = tpu.memref_slice %arg4[%dma_start3A_661, %multiple_of3A_655] : memref<32x1000001xf32, #tpu.memory_space<hbm>> -> memref<32x128xf32, #tpu.memory_space<hbm>>
    %dma_start3A_663 = arith.constant 0 : i32
    %dma_start3A_664 = arith.constant 0 : i32
    %dma_start3A_665 = tpu.memref_slice %arg14[%dma_start3A_656, %dma_start3A_663, %dma_start3A_664] : memref<8x32x128xf32, #tpu.memory_space<vmem>> -> memref<1x32x128xf32, #tpu.memory_space<vmem>>
    %dma_start3A_666 = tpu.memref_squeeze %dma_start3A_665 : memref<1x32x128xf32, #tpu.memory_space<vmem>> -> memref<32x128xf32, #tpu.memory_space<vmem>>
    %dma_start3A_667 = arith.constant 0 : i32
    %dma_start3A_668 = tpu.memref_slice %arg4[%dma_start3A_667, %multiple_of3A_655] : memref<32x1000001xf32, #tpu.memory_space<hbm>> -> memref<32x128xf32, #tpu.memory_space<hbm>>
    tpu.enqueue_dma source(%dma_start3A_668 : memref<32x128xf32, #tpu.memory_space<hbm>>) target(%dma_start3A_666 : memref<32x128xf32, #tpu.memory_space<vmem>>) target_semaphore(%arg20 : memref<!tpu.dma_semaphore, #tpu.memory_space<semaphore_mem>>)
    %get3A_669 = arith.constant 0 : index
    %get3A_670 = tpu.vector_load %arg13[%get3A_669] {strides = array<i32>} : memref<512xi32, #tpu.memory_space<vmem>>, vector<16xi32>,
    %eq3A_671 = arith.constant 6 : i32
    %eq3A_672 = vector.broadcast %eq3A_671 : i32 to vector<16xi32>
    %eq3A_673 = arith.cmpi eq, %iota3A, %eq3A_672 : vector<16xi32>
    %jit3A_674 = arith.constant 0 : i32
    %broadcast_in_dim3A_675 = vector.broadcast %jit3A_674 : i32 to vector<16xi32>
    %select_n3A_676 = arith.select %eq3A_673, %get3A_670, %broadcast_in_dim3A_675 : vector<16xi1>, vector<16xi32>
    %reduce_sum3A_677 = arith.constant true
    %reduce_sum3A_678 = vector.broadcast %reduce_sum3A_677 : i1 to vector<16xi1>
    %reduce_sum3A_679 = tpu.scan <sum>, %select_n3A_676 masked %reduce_sum3A_678 : vector<16xi32>, vector<16xi1> -> vector<16xi32>
    %reduce_sum3A_680 = vector.extract %reduce_sum3A_679[15] : i32 from vector<16xi32>
    %jit3A_681 = arith.constant 128 : i32
    %div3A_682 = arith.divsi %reduce_sum3A_680, %jit3A_681 : i32
    %sign3A_683 = arith.constant 0 : i32
    %sign3A_684 = arith.cmpi sgt, %reduce_sum3A_680, %sign3A_683 : i32
    %sign3A_685 = arith.extui %sign3A_684 : i1 to i32
    %sign3A_686 = arith.constant 0 : i32
    %sign3A_687 = arith.cmpi slt, %reduce_sum3A_680, %sign3A_686 : i32
    %sign3A_688 = arith.extui %sign3A_687 : i1 to i32
    %sign3A_689 = arith.subi %sign3A_685, %sign3A_688 : i32
    %sign3A_690 = arith.constant 0 : i32
    %sign3A_691 = arith.cmpi sgt, %jit3A_681, %sign3A_690 : i32
    %sign3A_692 = arith.extui %sign3A_691 : i1 to i32
    %sign3A_693 = arith.constant 0 : i32
    %sign3A_694 = arith.cmpi slt, %jit3A_681, %sign3A_693 : i32
    %sign3A_695 = arith.extui %sign3A_694 : i1 to i32
    %sign3A_696 = arith.subi %sign3A_692, %sign3A_695 : i32
    %ne3A_697 = arith.cmpi ne, %sign3A_689, %sign3A_696 : i32
    %rem3A_698 = arith.remsi %reduce_sum3A_680, %jit3A_681 : i32
    %ne3A_699 = arith.constant 0 : i32
    %ne3A_700 = arith.cmpi ne, %rem3A_698, %ne3A_699 : i32
    %and3A_701 = arith.andi %ne3A_697, %ne3A_700 : i1
    %sub3A_702 = arith.constant 1 : i32
    %sub3A_703 = arith.subi %div3A_682, %sub3A_702 : i32
    %select_n3A_704 = arith.select %and3A_701, %sub3A_703, %div3A_682 : i32
    %mul3A_705 = arith.constant 128 : i32
    %mul3A_706 = arith.muli %select_n3A_704, %mul3A_705 : i32
    %multiple_of3A_707 = tpu.assume_multiple %mul3A_706, 128 : i32
    %dma_start3A_708 = arith.constant 6 : i32
    %dma_start3A_709 = arith.constant 0 : i32
    %dma_start3A_710 = arith.constant 0 : i32
    %dma_start3A_711 = tpu.memref_slice %arg15[%dma_start3A_708, %dma_start3A_709, %dma_start3A_710] : memref<8x32x128xf32, #tpu.memory_space<vmem>> -> memref<1x32x128xf32, #tpu.memory_space<vmem>>
    %dma_start3A_712 = tpu.memref_squeeze %dma_start3A_711 : memref<1x32x128xf32, #tpu.memory_space<vmem>> -> memref<32x128xf32, #tpu.memory_space<vmem>>
    %dma_start3A_713 = arith.constant 0 : i32
    %dma_start3A_714 = tpu.memref_slice %arg5[%dma_start3A_713, %multiple_of3A_707] : memref<32x1000001xf32, #tpu.memory_space<hbm>> -> memref<32x128xf32, #tpu.memory_space<hbm>>
    %dma_start3A_715 = arith.constant 0 : i32
    %dma_start3A_716 = arith.constant 0 : i32
    %dma_start3A_717 = tpu.memref_slice %arg15[%dma_start3A_708, %dma_start3A_715, %dma_start3A_716] : memref<8x32x128xf32, #tpu.memory_space<vmem>> -> memref<1x32x128xf32, #tpu.memory_space<vmem>>
    %dma_start3A_718 = tpu.memref_squeeze %dma_start3A_717 : memref<1x32x128xf32, #tpu.memory_space<vmem>> -> memref<32x128xf32, #tpu.memory_space<vmem>>
    %dma_start3A_719 = arith.constant 0 : i32
    %dma_start3A_720 = tpu.memref_slice %arg5[%dma_start3A_719, %multiple_of3A_707] : memref<32x1000001xf32, #tpu.memory_space<hbm>> -> memref<32x128xf32, #tpu.memory_space<hbm>>
    tpu.enqueue_dma source(%dma_start3A_720 : memref<32x128xf32, #tpu.memory_space<hbm>>) target(%dma_start3A_718 : memref<32x128xf32, #tpu.memory_space<vmem>>) target_semaphore(%arg21 : memref<!tpu.dma_semaphore, #tpu.memory_space<semaphore_mem>>)
    %get3A_721 = arith.constant 0 : index
    %get3A_722 = tpu.vector_load %arg12[%get3A_721] {strides = array<i32>} : memref<512xi32, #tpu.memory_space<vmem>>, vector<16xi32>,
    %eq3A_723 = arith.constant 7 : i32
    %eq3A_724 = vector.broadcast %eq3A_723 : i32 to vector<16xi32>
    %eq3A_725 = arith.cmpi eq, %iota3A, %eq3A_724 : vector<16xi32>
    %jit3A_726 = arith.constant 0 : i32
    %broadcast_in_dim3A_727 = vector.broadcast %jit3A_726 : i32 to vector<16xi32>
    %select_n3A_728 = arith.select %eq3A_725, %get3A_722, %broadcast_in_dim3A_727 : vector<16xi1>, vector<16xi32>
    %reduce_sum3A_729 = arith.constant true
    %reduce_sum3A_730 = vector.broadcast %reduce_sum3A_729 : i1 to vector<16xi1>
    %reduce_sum3A_731 = tpu.scan <sum>, %select_n3A_728 masked %reduce_sum3A_730 : vector<16xi32>, vector<16xi1> -> vector<16xi32>
    %reduce_sum3A_732 = vector.extract %reduce_sum3A_731[15] : i32 from vector<16xi32>
    %jit3A_733 = arith.constant 128 : i32
    %div3A_734 = arith.divsi %reduce_sum3A_732, %jit3A_733 : i32
    %sign3A_735 = arith.constant 0 : i32
    %sign3A_736 = arith.cmpi sgt, %reduce_sum3A_732, %sign3A_735 : i32
    %sign3A_737 = arith.extui %sign3A_736 : i1 to i32
    %sign3A_738 = arith.constant 0 : i32
    %sign3A_739 = arith.cmpi slt, %reduce_sum3A_732, %sign3A_738 : i32
    %sign3A_740 = arith.extui %sign3A_739 : i1 to i32
    %sign3A_741 = arith.subi %sign3A_737, %sign3A_740 : i32
    %sign3A_742 = arith.constant 0 : i32
    %sign3A_743 = arith.cmpi sgt, %jit3A_733, %sign3A_742 : i32
    %sign3A_744 = arith.extui %sign3A_743 : i1 to i32
    %sign3A_745 = arith.constant 0 : i32
    %sign3A_746 = arith.cmpi slt, %jit3A_733, %sign3A_745 : i32
    %sign3A_747 = arith.extui %sign3A_746 : i1 to i32
    %sign3A_748 = arith.subi %sign3A_744, %sign3A_747 : i32
    %ne3A_749 = arith.cmpi ne, %sign3A_741, %sign3A_748 : i32
    %rem3A_750 = arith.remsi %reduce_sum3A_732, %jit3A_733 : i32
    %ne3A_751 = arith.constant 0 : i32
    %ne3A_752 = arith.cmpi ne, %rem3A_750, %ne3A_751 : i32
    %and3A_753 = arith.andi %ne3A_749, %ne3A_752 : i1
    %sub3A_754 = arith.constant 1 : i32
    %sub3A_755 = arith.subi %div3A_734, %sub3A_754 : i32
    %select_n3A_756 = arith.select %and3A_753, %sub3A_755, %div3A_734 : i32
    %mul3A_757 = arith.constant 128 : i32
    %mul3A_758 = arith.muli %select_n3A_756, %mul3A_757 : i32
    %multiple_of3A_759 = tpu.assume_multiple %mul3A_758, 128 : i32
    %dma_start3A_760 = arith.constant 7 : i32
    %dma_start3A_761 = arith.constant 0 : i32
    %dma_start3A_762 = arith.constant 0 : i32
    %dma_start3A_763 = tpu.memref_slice %arg14[%dma_start3A_760, %dma_start3A_761, %dma_start3A_762] : memref<8x32x128xf32, #tpu.memory_space<vmem>> -> memref<1x32x128xf32, #tpu.memory_space<vmem>>
    %dma_start3A_764 = tpu.memref_squeeze %dma_start3A_763 : memref<1x32x128xf32, #tpu.memory_space<vmem>> -> memref<32x128xf32, #tpu.memory_space<vmem>>
    %dma_start3A_765 = arith.constant 0 : i32
    %dma_start3A_766 = tpu.memref_slice %arg4[%dma_start3A_765, %multiple_of3A_759] : memref<32x1000001xf32, #tpu.memory_space<hbm>> -> memref<32x128xf32, #tpu.memory_space<hbm>>
    %dma_start3A_767 = arith.constant 0 : i32
    %dma_start3A_768 = arith.constant 0 : i32
    %dma_start3A_769 = tpu.memref_slice %arg14[%dma_start3A_760, %dma_start3A_767, %dma_start3A_768] : memref<8x32x128xf32, #tpu.memory_space<vmem>> -> memref<1x32x128xf32, #tpu.memory_space<vmem>>
    %dma_start3A_770 = tpu.memref_squeeze %dma_start3A_769 : memref<1x32x128xf32, #tpu.memory_space<vmem>> -> memref<32x128xf32, #tpu.memory_space<vmem>>
    %dma_start3A_771 = arith.constant 0 : i32
    %dma_start3A_772 = tpu.memref_slice %arg4[%dma_start3A_771, %multiple_of3A_759] : memref<32x1000001xf32, #tpu.memory_space<hbm>> -> memref<32x128xf32, #tpu.memory_space<hbm>>
    tpu.enqueue_dma source(%dma_start3A_772 : memref<32x128xf32, #tpu.memory_space<hbm>>) target(%dma_start3A_770 : memref<32x128xf32, #tpu.memory_space<vmem>>) target_semaphore(%arg20 : memref<!tpu.dma_semaphore, #tpu.memory_space<semaphore_mem>>)
    %get3A_773 = arith.constant 0 : index
    %get3A_774 = tpu.vector_load %arg13[%get3A_773] {strides = array<i32>} : memref<512xi32, #tpu.memory_space<vmem>>, vector<16xi32>,
    %eq3A_775 = arith.constant 7 : i32
    %eq3A_776 = vector.broadcast %eq3A_775 : i32 to vector<16xi32>
    %eq3A_777 = arith.cmpi eq, %iota3A, %eq3A_776 : vector<16xi32>
    %jit3A_778 = arith.constant 0 : i32
    %broadcast_in_dim3A_779 = vector.broadcast %jit3A_778 : i32 to vector<16xi32>
    %select_n3A_780 = arith.select %eq3A_777, %get3A_774, %broadcast_in_dim3A_779 : vector<16xi1>, vector<16xi32>
    %reduce_sum3A_781 = arith.constant true
    %reduce_sum3A_782 = vector.broadcast %reduce_sum3A_781 : i1 to vector<16xi1>
    %reduce_sum3A_783 = tpu.scan <sum>, %select_n3A_780 masked %reduce_sum3A_782 : vector<16xi32>, vector<16xi1> -> vector<16xi32>
    %reduce_sum3A_784 = vector.extract %reduce_sum3A_783[15] : i32 from vector<16xi32>
    %jit3A_785 = arith.constant 128 : i32
    %div3A_786 = arith.divsi %reduce_sum3A_784, %jit3A_785 : i32
    %sign3A_787 = arith.constant 0 : i32
    %sign3A_788 = arith.cmpi sgt, %reduce_sum3A_784, %sign3A_787 : i32
    %sign3A_789 = arith.extui %sign3A_788 : i1 to i32
    %sign3A_790 = arith.constant 0 : i32
    %sign3A_791 = arith.cmpi slt, %reduce_sum3A_784, %sign3A_790 : i32
    %sign3A_792 = arith.extui %sign3A_791 : i1 to i32
    %sign3A_793 = arith.subi %sign3A_789, %sign3A_792 : i32
    %sign3A_794 = arith.constant 0 : i32
    %sign3A_795 = arith.cmpi sgt, %jit3A_785, %sign3A_794 : i32
    %sign3A_796 = arith.extui %sign3A_795 : i1 to i32
    %sign3A_797 = arith.constant 0 : i32
    %sign3A_798 = arith.cmpi slt, %jit3A_785, %sign3A_797 : i32
    %sign3A_799 = arith.extui %sign3A_798 : i1 to i32
    %sign3A_800 = arith.subi %sign3A_796, %sign3A_799 : i32
    %ne3A_801 = arith.cmpi ne, %sign3A_793, %sign3A_800 : i32
    %rem3A_802 = arith.remsi %reduce_sum3A_784, %jit3A_785 : i32
    %ne3A_803 = arith.constant 0 : i32
    %ne3A_804 = arith.cmpi ne, %rem3A_802, %ne3A_803 : i32
    %and3A_805 = arith.andi %ne3A_801, %ne3A_804 : i1
    %sub3A_806 = arith.constant 1 : i32
    %sub3A_807 = arith.subi %div3A_786, %sub3A_806 : i32
    %select_n3A_808 = arith.select %and3A_805, %sub3A_807, %div3A_786 : i32
    %mul3A_809 = arith.constant 128 : i32
    %mul3A_810 = arith.muli %select_n3A_808, %mul3A_809 : i32
    %multiple_of3A_811 = tpu.assume_multiple %mul3A_810, 128 : i32
    %dma_start3A_812 = arith.constant 7 : i32
    %dma_start3A_813 = arith.constant 0 : i32
    %dma_start3A_814 = arith.constant 0 : i32
    %dma_start3A_815 = tpu.memref_slice %arg15[%dma_start3A_812, %dma_start3A_813, %dma_start3A_814] : memref<8x32x128xf32, #tpu.memory_space<vmem>> -> memref<1x32x128xf32, #tpu.memory_space<vmem>>
    %dma_start3A_816 = tpu.memref_squeeze %dma_start3A_815 : memref<1x32x128xf32, #tpu.memory_space<vmem>> -> memref<32x128xf32, #tpu.memory_space<vmem>>
    %dma_start3A_817 = arith.constant 0 : i32
    %dma_start3A_818 = tpu.memref_slice %arg5[%dma_start3A_817, %multiple_of3A_811] : memref<32x1000001xf32, #tpu.memory_space<hbm>> -> memref<32x128xf32, #tpu.memory_space<hbm>>
    %dma_start3A_819 = arith.constant 0 : i32
    %dma_start3A_820 = arith.constant 0 : i32
    %dma_start3A_821 = tpu.memref_slice %arg15[%dma_start3A_812, %dma_start3A_819, %dma_start3A_820] : memref<8x32x128xf32, #tpu.memory_space<vmem>> -> memref<1x32x128xf32, #tpu.memory_space<vmem>>
    %dma_start3A_822 = tpu.memref_squeeze %dma_start3A_821 : memref<1x32x128xf32, #tpu.memory_space<vmem>> -> memref<32x128xf32, #tpu.memory_space<vmem>>
    %dma_start3A_823 = arith.constant 0 : i32
    %dma_start3A_824 = tpu.memref_slice %arg5[%dma_start3A_823, %multiple_of3A_811] : memref<32x1000001xf32, #tpu.memory_space<hbm>> -> memref<32x128xf32, #tpu.memory_space<hbm>>
    tpu.enqueue_dma source(%dma_start3A_824 : memref<32x128xf32, #tpu.memory_space<hbm>>) target(%dma_start3A_822 : memref<32x128xf32, #tpu.memory_space<vmem>>) target_semaphore(%arg21 : memref<!tpu.dma_semaphore, #tpu.memory_space<semaphore_mem>>)
    %scan3A = arith.constant 0 : i32
    %scan3A_825 = arith.constant 512 : i32
    %scan3A_826 = arith.addi %scan3A, %scan3A_825 : i32
    %scan3A_827 = arith.constant 1 : i32
    scf.for %scan3A_836 = %scan3A to %scan3A_826 step %scan3A_827  : i32 {
      %jit3A_837 = arith.constant 8 : i32
      %eq3A_838 = arith.constant 0 : i32
      %eq3A_839 = arith.cmpi eq, %jit3A_837, %eq3A_838 : i32
      %jit3A_840 = arith.constant 1 : i32
      %select_n3A_841 = arith.select %eq3A_839, %jit3A_840, %jit3A_837 : i32
      %rem3A_842 = arith.remsi %scan3A_836, %select_n3A_841 : i32
      %ne3A_843 = arith.constant 0 : i32
      %ne3A_844 = arith.cmpi ne, %rem3A_842, %ne3A_843 : i32
      %lt3A = arith.constant 0 : i32
      %lt3A_845 = arith.cmpi slt, %rem3A_842, %lt3A : i32
      %lt3A_846 = arith.constant 0 : i32
      %lt3A_847 = arith.cmpi slt, %select_n3A_841, %lt3A_846 : i32
      %ne3A_848 = arith.xori %lt3A_845, %lt3A_847 : i1
      %and3A_849 = arith.andi %ne3A_848, %ne3A_844 : i1
      %add3A_850 = arith.addi %rem3A_842, %select_n3A_841 : i32
      %select_n3A_851 = arith.select %and3A_849, %add3A_850, %rem3A_842 : i32
      %dma_wait3A_852 = arith.constant 0 : i32
      %dma_wait3A_853 = arith.constant 0 : i32
      %dma_wait3A_854 = tpu.memref_slice %arg14[%select_n3A_851, %dma_wait3A_852, %dma_wait3A_853] : memref<8x32x128xf32, #tpu.memory_space<vmem>> -> memref<1x32x128xf32, #tpu.memory_space<vmem>>
      %dma_wait3A_855 = tpu.memref_squeeze %dma_wait3A_854 : memref<1x32x128xf32, #tpu.memory_space<vmem>> -> memref<32x128xf32, #tpu.memory_space<vmem>>
      %dma_wait3A_856 = arith.constant 0 : i32
      %dma_wait3A_857 = arith.constant 0 : i32
      %dma_wait3A_858 = tpu.memref_slice %arg4[%dma_wait3A_856, %dma_wait3A_857] : memref<32x1000001xf32, #tpu.memory_space<hbm>> -> memref<32x128xf32, #tpu.memory_space<hbm>>
      %dma_wait3A_859 = arith.constant 0 : i32
      %dma_wait3A_860 = arith.constant 0 : i32
      %dma_wait3A_861 = tpu.memref_slice %arg14[%select_n3A_851, %dma_wait3A_859, %dma_wait3A_860] : memref<8x32x128xf32, #tpu.memory_space<vmem>> -> memref<1x32x128xf32, #tpu.memory_space<vmem>>
      %dma_wait3A_862 = tpu.memref_squeeze %dma_wait3A_861 : memref<1x32x128xf32, #tpu.memory_space<vmem>> -> memref<32x128xf32, #tpu.memory_space<vmem>>
      %dma_wait3A_863 = arith.constant 0 : i32
      %dma_wait3A_864 = arith.constant 0 : i32
      %dma_wait3A_865 = tpu.memref_slice %arg4[%dma_wait3A_863, %dma_wait3A_864] : memref<32x1000001xf32, #tpu.memory_space<hbm>> -> memref<32x128xf32, #tpu.memory_space<hbm>>
      tpu.wait_dma2 semaphore(%arg20 : memref<!tpu.dma_semaphore, #tpu.memory_space<semaphore_mem>>) src(%dma_wait3A_865 : memref<32x128xf32, #tpu.memory_space<hbm>>) dst(%dma_wait3A_862 : memref<32x128xf32, #tpu.memory_space<vmem>>)
      %jit3A_866 = arith.constant 16 : i32
      %div3A_867 = arith.divsi %scan3A_836, %jit3A_866 : i32
      %sign3A_868 = arith.constant 0 : i32
      %sign3A_869 = arith.cmpi sgt, %scan3A_836, %sign3A_868 : i32
      %sign3A_870 = arith.extui %sign3A_869 : i1 to i32
      %sign3A_871 = arith.constant 0 : i32
      %sign3A_872 = arith.cmpi slt, %scan3A_836, %sign3A_871 : i32
      %sign3A_873 = arith.extui %sign3A_872 : i1 to i32
      %sign3A_874 = arith.subi %sign3A_870, %sign3A_873 : i32
      %sign3A_875 = arith.constant 0 : i32
      %sign3A_876 = arith.cmpi sgt, %jit3A_866, %sign3A_875 : i32
      %sign3A_877 = arith.extui %sign3A_876 : i1 to i32
      %sign3A_878 = arith.constant 0 : i32
      %sign3A_879 = arith.cmpi slt, %jit3A_866, %sign3A_878 : i32
      %sign3A_880 = arith.extui %sign3A_879 : i1 to i32
      %sign3A_881 = arith.subi %sign3A_877, %sign3A_880 : i32
      %ne3A_882 = arith.cmpi ne, %sign3A_874, %sign3A_881 : i32
      %rem3A_883 = arith.remsi %scan3A_836, %jit3A_866 : i32
      %ne3A_884 = arith.constant 0 : i32
      %ne3A_885 = arith.cmpi ne, %rem3A_883, %ne3A_884 : i32
      %and3A_886 = arith.andi %ne3A_882, %ne3A_885 : i1
      %sub3A_887 = arith.constant 1 : i32
      %sub3A_888 = arith.subi %div3A_867, %sub3A_887 : i32
      %select_n3A_889 = arith.select %and3A_886, %sub3A_888, %div3A_867 : i32
      %mul3A_890 = arith.constant 16 : i32
      %mul3A_891 = arith.muli %select_n3A_889, %mul3A_890 : i32
      %get3A_892 = arith.index_cast %mul3A_891 : i32 to index
      %get3A_893 = tpu.vector_load %arg12[%get3A_892] {strides = array<i32>} : memref<512xi32, #tpu.memory_space<vmem>>, vector<16xi32>,
      %jit3A_894 = arith.constant 16 : i32
      %eq3A_895 = arith.constant 0 : i32
      %eq3A_896 = arith.cmpi eq, %jit3A_894, %eq3A_895 : i32
      %jit3A_897 = arith.constant 1 : i32
      %select_n3A_898 = arith.select %eq3A_896, %jit3A_897, %jit3A_894 : i32
      %rem3A_899 = arith.remsi %scan3A_836, %select_n3A_898 : i32
      %ne3A_900 = arith.constant 0 : i32
      %ne3A_901 = arith.cmpi ne, %rem3A_899, %ne3A_900 : i32
      %lt3A_902 = arith.constant 0 : i32
      %lt3A_903 = arith.cmpi slt, %rem3A_899, %lt3A_902 : i32
      %lt3A_904 = arith.constant 0 : i32
      %lt3A_905 = arith.cmpi slt, %select_n3A_898, %lt3A_904 : i32
      %ne3A_906 = arith.xori %lt3A_903, %lt3A_905 : i1
      %and3A_907 = arith.andi %ne3A_906, %ne3A_901 : i1
      %add3A_908 = arith.addi %rem3A_899, %select_n3A_898 : i32
      %select_n3A_909 = arith.select %and3A_907, %add3A_908, %rem3A_899 : i32
      %eq3A_910 = vector.broadcast %select_n3A_909 : i32 to vector<16xi32>
      %eq3A_911 = arith.cmpi eq, %iota3A, %eq3A_910 : vector<16xi32>
      %jit3A_912 = arith.constant 0 : i32
      %broadcast_in_dim3A_913 = vector.broadcast %jit3A_912 : i32 to vector<16xi32>
      %select_n3A_914 = arith.select %eq3A_911, %get3A_893, %broadcast_in_dim3A_913 : vector<16xi1>, vector<16xi32>
      %reduce_sum3A_915 = arith.constant true
      %reduce_sum3A_916 = vector.broadcast %reduce_sum3A_915 : i1 to vector<16xi1>
      %reduce_sum3A_917 = tpu.scan <sum>, %select_n3A_914 masked %reduce_sum3A_916 : vector<16xi32>, vector<16xi1> -> vector<16xi32>
      %reduce_sum3A_918 = vector.extract %reduce_sum3A_917[15] : i32 from vector<16xi32>
      %rem3A_919 = arith.constant 128 : i32
      %rem3A_920 = arith.remsi %reduce_sum3A_918, %rem3A_919 : i32
      %jit3A_921 = arith.constant 128 : i32
      %div3A_922 = arith.divsi %scan3A_836, %jit3A_921 : i32
      %sign3A_923 = arith.constant 0 : i32
      %sign3A_924 = arith.cmpi sgt, %scan3A_836, %sign3A_923 : i32
      %sign3A_925 = arith.extui %sign3A_924 : i1 to i32
      %sign3A_926 = arith.constant 0 : i32
      %sign3A_927 = arith.cmpi slt, %scan3A_836, %sign3A_926 : i32
      %sign3A_928 = arith.extui %sign3A_927 : i1 to i32
      %sign3A_929 = arith.subi %sign3A_925, %sign3A_928 : i32
      %sign3A_930 = arith.constant 0 : i32
      %sign3A_931 = arith.cmpi sgt, %jit3A_921, %sign3A_930 : i32
      %sign3A_932 = arith.extui %sign3A_931 : i1 to i32
      %sign3A_933 = arith.constant 0 : i32
      %sign3A_934 = arith.cmpi slt, %jit3A_921, %sign3A_933 : i32
      %sign3A_935 = arith.extui %sign3A_934 : i1 to i32
      %sign3A_936 = arith.subi %sign3A_932, %sign3A_935 : i32
      %ne3A_937 = arith.cmpi ne, %sign3A_929, %sign3A_936 : i32
      %rem3A_938 = arith.remsi %scan3A_836, %jit3A_921 : i32
      %ne3A_939 = arith.constant 0 : i32
      %ne3A_940 = arith.cmpi ne, %rem3A_938, %ne3A_939 : i32
      %and3A_941 = arith.andi %ne3A_937, %ne3A_940 : i1
      %sub3A_942 = arith.constant 1 : i32
      %sub3A_943 = arith.subi %div3A_922, %sub3A_942 : i32
      %select_n3A_944 = arith.select %and3A_941, %sub3A_943, %div3A_922 : i32
      %rem3A_945 = arith.constant 128 : i32
      %rem3A_946 = arith.remsi %scan3A_836, %rem3A_945 : i32
      %add3A_947 = arith.constant 0 : i32
      %add3A_948 = vector.broadcast %add3A_947 : i32 to vector<16xi32>
      %add3A_949 = arith.addi %iota3A, %add3A_948 : vector<16xi32>
      %jit3A_950 = arith.constant 8 : i32
      %eq3A_951 = arith.constant 0 : i32
      %eq3A_952 = arith.cmpi eq, %jit3A_950, %eq3A_951 : i32
      %jit3A_953 = arith.constant 1 : i32
      %select_n3A_954 = arith.select %eq3A_952, %jit3A_953, %jit3A_950 : i32
      %rem3A_955 = arith.remsi %scan3A_836, %select_n3A_954 : i32
      %ne3A_956 = arith.constant 0 : i32
      %ne3A_957 = arith.cmpi ne, %rem3A_955, %ne3A_956 : i32
      %lt3A_958 = arith.constant 0 : i32
      %lt3A_959 = arith.cmpi slt, %rem3A_955, %lt3A_958 : i32
      %lt3A_960 = arith.constant 0 : i32
      %lt3A_961 = arith.cmpi slt, %select_n3A_954, %lt3A_960 : i32
      %ne3A_962 = arith.xori %lt3A_959, %lt3A_961 : i1
      %and3A_963 = arith.andi %ne3A_962, %ne3A_957 : i1
      %add3A_964 = arith.addi %rem3A_955, %select_n3A_954 : i32
      %select_n3A_965 = arith.select %and3A_963, %add3A_964, %rem3A_955 : i32
      %broadcast_in_dim3A_966 = vector.broadcast %select_n3A_965 : i32 to vector<16xi32>
      %broadcast_in_dim3A_967 = vector.broadcast %rem3A_920 : i32 to vector<16xi32>
      %gather3A = tpu.vector_load_idx %arg14[%broadcast_in_dim3A_966, %add3A_949, %broadcast_in_dim3A_967] : memref<8x32x128xf32, #tpu.memory_space<vmem>>[vector<16xi32>, vector<16xi32>, vector<16xi32>], vector<16xf32>,
      %broadcast_in_dim3A_968 = vector.broadcast %select_n3A_944 : i32 to vector<16xi32>
      %broadcast_in_dim3A_969 = vector.broadcast %rem3A_946 : i32 to vector<16xi32>
      tpu.vector_store_idx %arg16[%broadcast_in_dim3A_968, %add3A_949, %broadcast_in_dim3A_969], %gather3A : memref<4x32x128xf32, #tpu.memory_space<vmem>>[vector<16xi32>, vector<16xi32>, vector<16xi32>], vector<16xf32>,
      %add3A_970 = arith.constant 16 : i32
      %add3A_971 = vector.broadcast %add3A_970 : i32 to vector<16xi32>
      %add3A_972 = arith.addi %iota3A, %add3A_971 : vector<16xi32>
      %jit3A_973 = arith.constant 8 : i32
      %eq3A_974 = arith.constant 0 : i32
      %eq3A_975 = arith.cmpi eq, %jit3A_973, %eq3A_974 : i32
      %jit3A_976 = arith.constant 1 : i32
      %select_n3A_977 = arith.select %eq3A_975, %jit3A_976, %jit3A_973 : i32
      %rem3A_978 = arith.remsi %scan3A_836, %select_n3A_977 : i32
      %ne3A_979 = arith.constant 0 : i32
      %ne3A_980 = arith.cmpi ne, %rem3A_978, %ne3A_979 : i32
      %lt3A_981 = arith.constant 0 : i32
      %lt3A_982 = arith.cmpi slt, %rem3A_978, %lt3A_981 : i32
      %lt3A_983 = arith.constant 0 : i32
      %lt3A_984 = arith.cmpi slt, %select_n3A_977, %lt3A_983 : i32
      %ne3A_985 = arith.xori %lt3A_982, %lt3A_984 : i1
      %and3A_986 = arith.andi %ne3A_985, %ne3A_980 : i1
      %add3A_987 = arith.addi %rem3A_978, %select_n3A_977 : i32
      %select_n3A_988 = arith.select %and3A_986, %add3A_987, %rem3A_978 : i32
      %broadcast_in_dim3A_989 = vector.broadcast %select_n3A_988 : i32 to vector<16xi32>
      %broadcast_in_dim3A_990 = vector.broadcast %rem3A_920 : i32 to vector<16xi32>
      %gather3A_991 = tpu.vector_load_idx %arg14[%broadcast_in_dim3A_989, %add3A_972, %broadcast_in_dim3A_990] : memref<8x32x128xf32, #tpu.memory_space<vmem>>[vector<16xi32>, vector<16xi32>, vector<16xi32>], vector<16xf32>,
      %broadcast_in_dim3A_992 = vector.broadcast %select_n3A_944 : i32 to vector<16xi32>
      %broadcast_in_dim3A_993 = vector.broadcast %rem3A_946 : i32 to vector<16xi32>
      tpu.vector_store_idx %arg16[%broadcast_in_dim3A_992, %add3A_972, %broadcast_in_dim3A_993], %gather3A_991 : memref<4x32x128xf32, #tpu.memory_space<vmem>>[vector<16xi32>, vector<16xi32>, vector<16xi32>], vector<16xf32>,
      %jit3A_994 = arith.constant 8 : i32
      %eq3A_995 = arith.constant 0 : i32
      %eq3A_996 = arith.cmpi eq, %jit3A_994, %eq3A_995 : i32
      %jit3A_997 = arith.constant 1 : i32
      %select_n3A_998 = arith.select %eq3A_996, %jit3A_997, %jit3A_994 : i32
      %rem3A_999 = arith.remsi %scan3A_836, %select_n3A_998 : i32
      %ne3A_1000 = arith.constant 0 : i32
      %ne3A_1001 = arith.cmpi ne, %rem3A_999, %ne3A_1000 : i32
      %lt3A_1002 = arith.constant 0 : i32
      %lt3A_1003 = arith.cmpi slt, %rem3A_999, %lt3A_1002 : i32
      %lt3A_1004 = arith.constant 0 : i32
      %lt3A_1005 = arith.cmpi slt, %select_n3A_998, %lt3A_1004 : i32
      %ne3A_1006 = arith.xori %lt3A_1003, %lt3A_1005 : i1
      %and3A_1007 = arith.andi %ne3A_1006, %ne3A_1001 : i1
      %add3A_1008 = arith.addi %rem3A_999, %select_n3A_998 : i32
      %select_n3A_1009 = arith.select %and3A_1007, %add3A_1008, %rem3A_999 : i32
      %dma_wait3A_1010 = arith.constant 0 : i32
      %dma_wait3A_1011 = arith.constant 0 : i32
      %dma_wait3A_1012 = tpu.memref_slice %arg15[%select_n3A_1009, %dma_wait3A_1010, %dma_wait3A_1011] : memref<8x32x128xf32, #tpu.memory_space<vmem>> -> memref<1x32x128xf32, #tpu.memory_space<vmem>>
      %dma_wait3A_1013 = tpu.memref_squeeze %dma_wait3A_1012 : memref<1x32x128xf32, #tpu.memory_space<vmem>> -> memref<32x128xf32, #tpu.memory_space<vmem>>
      %dma_wait3A_1014 = arith.constant 0 : i32
      %dma_wait3A_1015 = arith.constant 0 : i32
      %dma_wait3A_1016 = tpu.memref_slice %arg5[%dma_wait3A_1014, %dma_wait3A_1015] : memref<32x1000001xf32, #tpu.memory_space<hbm>> -> memref<32x128xf32, #tpu.memory_space<hbm>>
      %dma_wait3A_1017 = arith.constant 0 : i32
      %dma_wait3A_1018 = arith.constant 0 : i32
      %dma_wait3A_1019 = tpu.memref_slice %arg15[%select_n3A_1009, %dma_wait3A_1017, %dma_wait3A_1018] : memref<8x32x128xf32, #tpu.memory_space<vmem>> -> memref<1x32x128xf32, #tpu.memory_space<vmem>>
      %dma_wait3A_1020 = tpu.memref_squeeze %dma_wait3A_1019 : memref<1x32x128xf32, #tpu.memory_space<vmem>> -> memref<32x128xf32, #tpu.memory_space<vmem>>
      %dma_wait3A_1021 = arith.constant 0 : i32
      %dma_wait3A_1022 = arith.constant 0 : i32
      %dma_wait3A_1023 = tpu.memref_slice %arg5[%dma_wait3A_1021, %dma_wait3A_1022] : memref<32x1000001xf32, #tpu.memory_space<hbm>> -> memref<32x128xf32, #tpu.memory_space<hbm>>
      tpu.wait_dma2 semaphore(%arg21 : memref<!tpu.dma_semaphore, #tpu.memory_space<semaphore_mem>>) src(%dma_wait3A_1023 : memref<32x128xf32, #tpu.memory_space<hbm>>) dst(%dma_wait3A_1020 : memref<32x128xf32, #tpu.memory_space<vmem>>)
      %jit3A_1024 = arith.constant 16 : i32
      %div3A_1025 = arith.divsi %scan3A_836, %jit3A_1024 : i32
      %sign3A_1026 = arith.constant 0 : i32
      %sign3A_1027 = arith.cmpi sgt, %scan3A_836, %sign3A_1026 : i32
      %sign3A_1028 = arith.extui %sign3A_1027 : i1 to i32
      %sign3A_1029 = arith.constant 0 : i32
      %sign3A_1030 = arith.cmpi slt, %scan3A_836, %sign3A_1029 : i32
      %sign3A_1031 = arith.extui %sign3A_1030 : i1 to i32
      %sign3A_1032 = arith.subi %sign3A_1028, %sign3A_1031 : i32
      %sign3A_1033 = arith.constant 0 : i32
      %sign3A_1034 = arith.cmpi sgt, %jit3A_1024, %sign3A_1033 : i32
      %sign3A_1035 = arith.extui %sign3A_1034 : i1 to i32
      %sign3A_1036 = arith.constant 0 : i32
      %sign3A_1037 = arith.cmpi slt, %jit3A_1024, %sign3A_1036 : i32
      %sign3A_1038 = arith.extui %sign3A_1037 : i1 to i32
      %sign3A_1039 = arith.subi %sign3A_1035, %sign3A_1038 : i32
      %ne3A_1040 = arith.cmpi ne, %sign3A_1032, %sign3A_1039 : i32
      %rem3A_1041 = arith.remsi %scan3A_836, %jit3A_1024 : i32
      %ne3A_1042 = arith.constant 0 : i32
      %ne3A_1043 = arith.cmpi ne, %rem3A_1041, %ne3A_1042 : i32
      %and3A_1044 = arith.andi %ne3A_1040, %ne3A_1043 : i1
      %sub3A_1045 = arith.constant 1 : i32
      %sub3A_1046 = arith.subi %div3A_1025, %sub3A_1045 : i32
      %select_n3A_1047 = arith.select %and3A_1044, %sub3A_1046, %div3A_1025 : i32
      %mul3A_1048 = arith.constant 16 : i32
      %mul3A_1049 = arith.muli %select_n3A_1047, %mul3A_1048 : i32
      %get3A_1050 = arith.index_cast %mul3A_1049 : i32 to index
      %get3A_1051 = tpu.vector_load %arg13[%get3A_1050] {strides = array<i32>} : memref<512xi32, #tpu.memory_space<vmem>>, vector<16xi32>,
      %jit3A_1052 = arith.constant 16 : i32
      %eq3A_1053 = arith.constant 0 : i32
      %eq3A_1054 = arith.cmpi eq, %jit3A_1052, %eq3A_1053 : i32
      %jit3A_1055 = arith.constant 1 : i32
      %select_n3A_1056 = arith.select %eq3A_1054, %jit3A_1055, %jit3A_1052 : i32
      %rem3A_1057 = arith.remsi %scan3A_836, %select_n3A_1056 : i32
      %ne3A_1058 = arith.constant 0 : i32
      %ne3A_1059 = arith.cmpi ne, %rem3A_1057, %ne3A_1058 : i32
      %lt3A_1060 = arith.constant 0 : i32
      %lt3A_1061 = arith.cmpi slt, %rem3A_1057, %lt3A_1060 : i32
      %lt3A_1062 = arith.constant 0 : i32
      %lt3A_1063 = arith.cmpi slt, %select_n3A_1056, %lt3A_1062 : i32
      %ne3A_1064 = arith.xori %lt3A_1061, %lt3A_1063 : i1
      %and3A_1065 = arith.andi %ne3A_1064, %ne3A_1059 : i1
      %add3A_1066 = arith.addi %rem3A_1057, %select_n3A_1056 : i32
      %select_n3A_1067 = arith.select %and3A_1065, %add3A_1066, %rem3A_1057 : i32
      %eq3A_1068 = vector.broadcast %select_n3A_1067 : i32 to vector<16xi32>
      %eq3A_1069 = arith.cmpi eq, %iota3A, %eq3A_1068 : vector<16xi32>
      %jit3A_1070 = arith.constant 0 : i32
      %broadcast_in_dim3A_1071 = vector.broadcast %jit3A_1070 : i32 to vector<16xi32>
      %select_n3A_1072 = arith.select %eq3A_1069, %get3A_1051, %broadcast_in_dim3A_1071 : vector<16xi1>, vector<16xi32>
      %reduce_sum3A_1073 = arith.constant true
      %reduce_sum3A_1074 = vector.broadcast %reduce_sum3A_1073 : i1 to vector<16xi1>
      %reduce_sum3A_1075 = tpu.scan <sum>, %select_n3A_1072 masked %reduce_sum3A_1074 : vector<16xi32>, vector<16xi1> -> vector<16xi32>
      %reduce_sum3A_1076 = vector.extract %reduce_sum3A_1075[15] : i32 from vector<16xi32>
      %rem3A_1077 = arith.constant 128 : i32
      %rem3A_1078 = arith.remsi %reduce_sum3A_1076, %rem3A_1077 : i32
      %jit3A_1079 = arith.constant 128 : i32
      %div3A_1080 = arith.divsi %scan3A_836, %jit3A_1079 : i32
      %sign3A_1081 = arith.constant 0 : i32
      %sign3A_1082 = arith.cmpi sgt, %scan3A_836, %sign3A_1081 : i32
      %sign3A_1083 = arith.extui %sign3A_1082 : i1 to i32
      %sign3A_1084 = arith.constant 0 : i32
      %sign3A_1085 = arith.cmpi slt, %scan3A_836, %sign3A_1084 : i32
      %sign3A_1086 = arith.extui %sign3A_1085 : i1 to i32
      %sign3A_1087 = arith.subi %sign3A_1083, %sign3A_1086 : i32
      %sign3A_1088 = arith.constant 0 : i32
      %sign3A_1089 = arith.cmpi sgt, %jit3A_1079, %sign3A_1088 : i32
      %sign3A_1090 = arith.extui %sign3A_1089 : i1 to i32
      %sign3A_1091 = arith.constant 0 : i32
      %sign3A_1092 = arith.cmpi slt, %jit3A_1079, %sign3A_1091 : i32
      %sign3A_1093 = arith.extui %sign3A_1092 : i1 to i32
      %sign3A_1094 = arith.subi %sign3A_1090, %sign3A_1093 : i32
      %ne3A_1095 = arith.cmpi ne, %sign3A_1087, %sign3A_1094 : i32
      %rem3A_1096 = arith.remsi %scan3A_836, %jit3A_1079 : i32
      %ne3A_1097 = arith.constant 0 : i32
      %ne3A_1098 = arith.cmpi ne, %rem3A_1096, %ne3A_1097 : i32
      %and3A_1099 = arith.andi %ne3A_1095, %ne3A_1098 : i1
      %sub3A_1100 = arith.constant 1 : i32
      %sub3A_1101 = arith.subi %div3A_1080, %sub3A_1100 : i32
      %select_n3A_1102 = arith.select %and3A_1099, %sub3A_1101, %div3A_1080 : i32
      %rem3A_1103 = arith.constant 128 : i32
      %rem3A_1104 = arith.remsi %scan3A_836, %rem3A_1103 : i32
      %add3A_1105 = arith.constant 0 : i32
      %add3A_1106 = vector.broadcast %add3A_1105 : i32 to vector<16xi32>
      %add3A_1107 = arith.addi %iota3A, %add3A_1106 : vector<16xi32>
      %jit3A_1108 = arith.constant 8 : i32
      %eq3A_1109 = arith.constant 0 : i32
      %eq3A_1110 = arith.cmpi eq, %jit3A_1108, %eq3A_1109 : i32
      %jit3A_1111 = arith.constant 1 : i32
      %select_n3A_1112 = arith.select %eq3A_1110, %jit3A_1111, %jit3A_1108 : i32
      %rem3A_1113 = arith.remsi %scan3A_836, %select_n3A_1112 : i32
      %ne3A_1114 = arith.constant 0 : i32
      %ne3A_1115 = arith.cmpi ne, %rem3A_1113, %ne3A_1114 : i32
      %lt3A_1116 = arith.constant 0 : i32
      %lt3A_1117 = arith.cmpi slt, %rem3A_1113, %lt3A_1116 : i32
      %lt3A_1118 = arith.constant 0 : i32
      %lt3A_1119 = arith.cmpi slt, %select_n3A_1112, %lt3A_1118 : i32
      %ne3A_1120 = arith.xori %lt3A_1117, %lt3A_1119 : i1
      %and3A_1121 = arith.andi %ne3A_1120, %ne3A_1115 : i1
      %add3A_1122 = arith.addi %rem3A_1113, %select_n3A_1112 : i32
      %select_n3A_1123 = arith.select %and3A_1121, %add3A_1122, %rem3A_1113 : i32
      %broadcast_in_dim3A_1124 = vector.broadcast %select_n3A_1123 : i32 to vector<16xi32>
      %broadcast_in_dim3A_1125 = vector.broadcast %rem3A_1078 : i32 to vector<16xi32>
      %gather3A_1126 = tpu.vector_load_idx %arg15[%broadcast_in_dim3A_1124, %add3A_1107, %broadcast_in_dim3A_1125] : memref<8x32x128xf32, #tpu.memory_space<vmem>>[vector<16xi32>, vector<16xi32>, vector<16xi32>], vector<16xf32>,
      %broadcast_in_dim3A_1127 = vector.broadcast %select_n3A_1102 : i32 to vector<16xi32>
      %broadcast_in_dim3A_1128 = vector.broadcast %rem3A_1104 : i32 to vector<16xi32>
      tpu.vector_store_idx %arg17[%broadcast_in_dim3A_1127, %add3A_1107, %broadcast_in_dim3A_1128], %gather3A_1126 : memref<4x32x128xf32, #tpu.memory_space<vmem>>[vector<16xi32>, vector<16xi32>, vector<16xi32>], vector<16xf32>,
      %add3A_1129 = arith.constant 16 : i32
      %add3A_1130 = vector.broadcast %add3A_1129 : i32 to vector<16xi32>
      %add3A_1131 = arith.addi %iota3A, %add3A_1130 : vector<16xi32>
      %jit3A_1132 = arith.constant 8 : i32
      %eq3A_1133 = arith.constant 0 : i32
      %eq3A_1134 = arith.cmpi eq, %jit3A_1132, %eq3A_1133 : i32
      %jit3A_1135 = arith.constant 1 : i32
      %select_n3A_1136 = arith.select %eq3A_1134, %jit3A_1135, %jit3A_1132 : i32
      %rem3A_1137 = arith.remsi %scan3A_836, %select_n3A_1136 : i32
      %ne3A_1138 = arith.constant 0 : i32
      %ne3A_1139 = arith.cmpi ne, %rem3A_1137, %ne3A_1138 : i32
      %lt3A_1140 = arith.constant 0 : i32
      %lt3A_1141 = arith.cmpi slt, %rem3A_1137, %lt3A_1140 : i32
      %lt3A_1142 = arith.constant 0 : i32
      %lt3A_1143 = arith.cmpi slt, %select_n3A_1136, %lt3A_1142 : i32
      %ne3A_1144 = arith.xori %lt3A_1141, %lt3A_1143 : i1
      %and3A_1145 = arith.andi %ne3A_1144, %ne3A_1139 : i1
      %add3A_1146 = arith.addi %rem3A_1137, %select_n3A_1136 : i32
      %select_n3A_1147 = arith.select %and3A_1145, %add3A_1146, %rem3A_1137 : i32
      %broadcast_in_dim3A_1148 = vector.broadcast %select_n3A_1147 : i32 to vector<16xi32>
      %broadcast_in_dim3A_1149 = vector.broadcast %rem3A_1078 : i32 to vector<16xi32>
      %gather3A_1150 = tpu.vector_load_idx %arg15[%broadcast_in_dim3A_1148, %add3A_1131, %broadcast_in_dim3A_1149] : memref<8x32x128xf32, #tpu.memory_space<vmem>>[vector<16xi32>, vector<16xi32>, vector<16xi32>], vector<16xf32>,
      %broadcast_in_dim3A_1151 = vector.broadcast %select_n3A_1102 : i32 to vector<16xi32>
      %broadcast_in_dim3A_1152 = vector.broadcast %rem3A_1104 : i32 to vector<16xi32>
      tpu.vector_store_idx %arg17[%broadcast_in_dim3A_1151, %add3A_1131, %broadcast_in_dim3A_1152], %gather3A_1150 : memref<4x32x128xf32, #tpu.memory_space<vmem>>[vector<16xi32>, vector<16xi32>, vector<16xi32>], vector<16xf32>,
      %add3A_1153 = arith.constant 8 : i32
      %add3A_1154 = arith.addi %scan3A_836, %add3A_1153 : i32
      %lt3A_1155 = arith.constant 512 : i32
      %lt3A_1156 = arith.cmpi slt, %add3A_1154, %lt3A_1155 : i32
      %convert_element_type3A = arith.extui %lt3A_1156 : i1 to i32
      %cond3A = arith.constant 0 : i32
      %cond3A_1157 = arith.cmpi ne, %convert_element_type3A, %cond3A : i32
      scf.if %cond3A_1157 {
        %add3A_1158 = arith.constant 8 : i32
        %add3A_1159 = arith.addi %scan3A_836, %add3A_1158 : i32
        %jit3A_1160 = arith.constant 16 : i32
        %div3A_1161 = arith.divsi %add3A_1159, %jit3A_1160 : i32
        %sign3A_1162 = arith.constant 0 : i32
        %sign3A_1163 = arith.cmpi sgt, %add3A_1159, %sign3A_1162 : i32
        %sign3A_1164 = arith.extui %sign3A_1163 : i1 to i32
        %sign3A_1165 = arith.constant 0 : i32
        %sign3A_1166 = arith.cmpi slt, %add3A_1159, %sign3A_1165 : i32
        %sign3A_1167 = arith.extui %sign3A_1166 : i1 to i32
        %sign3A_1168 = arith.subi %sign3A_1164, %sign3A_1167 : i32
        %sign3A_1169 = arith.constant 0 : i32
        %sign3A_1170 = arith.cmpi sgt, %jit3A_1160, %sign3A_1169 : i32
        %sign3A_1171 = arith.extui %sign3A_1170 : i1 to i32
        %sign3A_1172 = arith.constant 0 : i32
        %sign3A_1173 = arith.cmpi slt, %jit3A_1160, %sign3A_1172 : i32
        %sign3A_1174 = arith.extui %sign3A_1173 : i1 to i32
        %sign3A_1175 = arith.subi %sign3A_1171, %sign3A_1174 : i32
        %ne3A_1176 = arith.cmpi ne, %sign3A_1168, %sign3A_1175 : i32
        %rem3A_1177 = arith.remsi %add3A_1159, %jit3A_1160 : i32
        %ne3A_1178 = arith.constant 0 : i32
        %ne3A_1179 = arith.cmpi ne, %rem3A_1177, %ne3A_1178 : i32
        %and3A_1180 = arith.andi %ne3A_1176, %ne3A_1179 : i1
        %sub3A_1181 = arith.constant 1 : i32
        %sub3A_1182 = arith.subi %div3A_1161, %sub3A_1181 : i32
        %select_n3A_1183 = arith.select %and3A_1180, %sub3A_1182, %div3A_1161 : i32
        %mul3A_1184 = arith.constant 16 : i32
        %mul3A_1185 = arith.muli %select_n3A_1183, %mul3A_1184 : i32
        %get3A_1186 = arith.index_cast %mul3A_1185 : i32 to index
        %get3A_1187 = tpu.vector_load %arg12[%get3A_1186] {strides = array<i32>} : memref<512xi32, #tpu.memory_space<vmem>>, vector<16xi32>,
        %jit3A_1188 = arith.constant 16 : i32
        %eq3A_1189 = arith.constant 0 : i32
        %eq3A_1190 = arith.cmpi eq, %jit3A_1188, %eq3A_1189 : i32
        %jit3A_1191 = arith.constant 1 : i32
        %select_n3A_1192 = arith.select %eq3A_1190, %jit3A_1191, %jit3A_1188 : i32
        %rem3A_1193 = arith.remsi %add3A_1159, %select_n3A_1192 : i32
        %ne3A_1194 = arith.constant 0 : i32
        %ne3A_1195 = arith.cmpi ne, %rem3A_1193, %ne3A_1194 : i32
        %lt3A_1196 = arith.constant 0 : i32
        %lt3A_1197 = arith.cmpi slt, %rem3A_1193, %lt3A_1196 : i32
        %lt3A_1198 = arith.constant 0 : i32
        %lt3A_1199 = arith.cmpi slt, %select_n3A_1192, %lt3A_1198 : i32
        %ne3A_1200 = arith.xori %lt3A_1197, %lt3A_1199 : i1
        %and3A_1201 = arith.andi %ne3A_1200, %ne3A_1195 : i1
        %add3A_1202 = arith.addi %rem3A_1193, %select_n3A_1192 : i32
        %select_n3A_1203 = arith.select %and3A_1201, %add3A_1202, %rem3A_1193 : i32
        %eq3A_1204 = vector.broadcast %select_n3A_1203 : i32 to vector<16xi32>
        %eq3A_1205 = arith.cmpi eq, %iota3A, %eq3A_1204 : vector<16xi32>
        %jit3A_1206 = arith.constant 0 : i32
        %broadcast_in_dim3A_1207 = vector.broadcast %jit3A_1206 : i32 to vector<16xi32>
        %select_n3A_1208 = arith.select %eq3A_1205, %get3A_1187, %broadcast_in_dim3A_1207 : vector<16xi1>, vector<16xi32>
        %reduce_sum3A_1209 = arith.constant true
        %reduce_sum3A_1210 = vector.broadcast %reduce_sum3A_1209 : i1 to vector<16xi1>
        %reduce_sum3A_1211 = tpu.scan <sum>, %select_n3A_1208 masked %reduce_sum3A_1210 : vector<16xi32>, vector<16xi1> -> vector<16xi32>
        %reduce_sum3A_1212 = vector.extract %reduce_sum3A_1211[15] : i32 from vector<16xi32>
        %jit3A_1213 = arith.constant 128 : i32
        %div3A_1214 = arith.divsi %reduce_sum3A_1212, %jit3A_1213 : i32
        %sign3A_1215 = arith.constant 0 : i32
        %sign3A_1216 = arith.cmpi sgt, %reduce_sum3A_1212, %sign3A_1215 : i32
        %sign3A_1217 = arith.extui %sign3A_1216 : i1 to i32
        %sign3A_1218 = arith.constant 0 : i32
        %sign3A_1219 = arith.cmpi slt, %reduce_sum3A_1212, %sign3A_1218 : i32
        %sign3A_1220 = arith.extui %sign3A_1219 : i1 to i32
        %sign3A_1221 = arith.subi %sign3A_1217, %sign3A_1220 : i32
        %sign3A_1222 = arith.constant 0 : i32
        %sign3A_1223 = arith.cmpi sgt, %jit3A_1213, %sign3A_1222 : i32
        %sign3A_1224 = arith.extui %sign3A_1223 : i1 to i32
        %sign3A_1225 = arith.constant 0 : i32
        %sign3A_1226 = arith.cmpi slt, %jit3A_1213, %sign3A_1225 : i32
        %sign3A_1227 = arith.extui %sign3A_1226 : i1 to i32
        %sign3A_1228 = arith.subi %sign3A_1224, %sign3A_1227 : i32
        %ne3A_1229 = arith.cmpi ne, %sign3A_1221, %sign3A_1228 : i32
        %rem3A_1230 = arith.remsi %reduce_sum3A_1212, %jit3A_1213 : i32
        %ne3A_1231 = arith.constant 0 : i32
        %ne3A_1232 = arith.cmpi ne, %rem3A_1230, %ne3A_1231 : i32
        %and3A_1233 = arith.andi %ne3A_1229, %ne3A_1232 : i1
        %sub3A_1234 = arith.constant 1 : i32
        %sub3A_1235 = arith.subi %div3A_1214, %sub3A_1234 : i32
        %select_n3A_1236 = arith.select %and3A_1233, %sub3A_1235, %div3A_1214 : i32
        %mul3A_1237 = arith.constant 128 : i32
        %mul3A_1238 = arith.muli %select_n3A_1236, %mul3A_1237 : i32
        %multiple_of3A_1239 = tpu.assume_multiple %mul3A_1238, 128 : i32
        %jit3A_1240 = arith.constant 8 : i32
        %eq3A_1241 = arith.constant 0 : i32
        %eq3A_1242 = arith.cmpi eq, %jit3A_1240, %eq3A_1241 : i32
        %jit3A_1243 = arith.constant 1 : i32
        %select_n3A_1244 = arith.select %eq3A_1242, %jit3A_1243, %jit3A_1240 : i32
        %rem3A_1245 = arith.remsi %add3A_1159, %select_n3A_1244 : i32
        %ne3A_1246 = arith.constant 0 : i32
        %ne3A_1247 = arith.cmpi ne, %rem3A_1245, %ne3A_1246 : i32
        %lt3A_1248 = arith.constant 0 : i32
        %lt3A_1249 = arith.cmpi slt, %rem3A_1245, %lt3A_1248 : i32
        %lt3A_1250 = arith.constant 0 : i32
        %lt3A_1251 = arith.cmpi slt, %select_n3A_1244, %lt3A_1250 : i32
        %ne3A_1252 = arith.xori %lt3A_1249, %lt3A_1251 : i1
        %and3A_1253 = arith.andi %ne3A_1252, %ne3A_1247 : i1
        %add3A_1254 = arith.addi %rem3A_1245, %select_n3A_1244 : i32
        %select_n3A_1255 = arith.select %and3A_1253, %add3A_1254, %rem3A_1245 : i32
        %dma_start3A_1256 = arith.constant 0 : i32
        %dma_start3A_1257 = arith.constant 0 : i32
        %dma_start3A_1258 = tpu.memref_slice %arg14[%select_n3A_1255, %dma_start3A_1256, %dma_start3A_1257] : memref<8x32x128xf32, #tpu.memory_space<vmem>> -> memref<1x32x128xf32, #tpu.memory_space<vmem>>
        %dma_start3A_1259 = tpu.memref_squeeze %dma_start3A_1258 : memref<1x32x128xf32, #tpu.memory_space<vmem>> -> memref<32x128xf32, #tpu.memory_space<vmem>>
        %dma_start3A_1260 = arith.constant 0 : i32
        %dma_start3A_1261 = tpu.memref_slice %arg4[%dma_start3A_1260, %multiple_of3A_1239] : memref<32x1000001xf32, #tpu.memory_space<hbm>> -> memref<32x128xf32, #tpu.memory_space<hbm>>
        %dma_start3A_1262 = arith.constant 0 : i32
        %dma_start3A_1263 = arith.constant 0 : i32
        %dma_start3A_1264 = tpu.memref_slice %arg14[%select_n3A_1255, %dma_start3A_1262, %dma_start3A_1263] : memref<8x32x128xf32, #tpu.memory_space<vmem>> -> memref<1x32x128xf32, #tpu.memory_space<vmem>>
        %dma_start3A_1265 = tpu.memref_squeeze %dma_start3A_1264 : memref<1x32x128xf32, #tpu.memory_space<vmem>> -> memref<32x128xf32, #tpu.memory_space<vmem>>
        %dma_start3A_1266 = arith.constant 0 : i32
        %dma_start3A_1267 = tpu.memref_slice %arg4[%dma_start3A_1266, %multiple_of3A_1239] : memref<32x1000001xf32, #tpu.memory_space<hbm>> -> memref<32x128xf32, #tpu.memory_space<hbm>>
        tpu.enqueue_dma source(%dma_start3A_1267 : memref<32x128xf32, #tpu.memory_space<hbm>>) target(%dma_start3A_1265 : memref<32x128xf32, #tpu.memory_space<vmem>>) target_semaphore(%arg20 : memref<!tpu.dma_semaphore, #tpu.memory_space<semaphore_mem>>)
        %add3A_1268 = arith.constant 8 : i32
        %add3A_1269 = arith.addi %scan3A_836, %add3A_1268 : i32
        %jit3A_1270 = arith.constant 16 : i32
        %div3A_1271 = arith.divsi %add3A_1269, %jit3A_1270 : i32
        %sign3A_1272 = arith.constant 0 : i32
        %sign3A_1273 = arith.cmpi sgt, %add3A_1269, %sign3A_1272 : i32
        %sign3A_1274 = arith.extui %sign3A_1273 : i1 to i32
        %sign3A_1275 = arith.constant 0 : i32
        %sign3A_1276 = arith.cmpi slt, %add3A_1269, %sign3A_1275 : i32
        %sign3A_1277 = arith.extui %sign3A_1276 : i1 to i32
        %sign3A_1278 = arith.subi %sign3A_1274, %sign3A_1277 : i32
        %sign3A_1279 = arith.constant 0 : i32
        %sign3A_1280 = arith.cmpi sgt, %jit3A_1270, %sign3A_1279 : i32
        %sign3A_1281 = arith.extui %sign3A_1280 : i1 to i32
        %sign3A_1282 = arith.constant 0 : i32
        %sign3A_1283 = arith.cmpi slt, %jit3A_1270, %sign3A_1282 : i32
        %sign3A_1284 = arith.extui %sign3A_1283 : i1 to i32
        %sign3A_1285 = arith.subi %sign3A_1281, %sign3A_1284 : i32
        %ne3A_1286 = arith.cmpi ne, %sign3A_1278, %sign3A_1285 : i32
        %rem3A_1287 = arith.remsi %add3A_1269, %jit3A_1270 : i32
        %ne3A_1288 = arith.constant 0 : i32
        %ne3A_1289 = arith.cmpi ne, %rem3A_1287, %ne3A_1288 : i32
        %and3A_1290 = arith.andi %ne3A_1286, %ne3A_1289 : i1
        %sub3A_1291 = arith.constant 1 : i32
        %sub3A_1292 = arith.subi %div3A_1271, %sub3A_1291 : i32
        %select_n3A_1293 = arith.select %and3A_1290, %sub3A_1292, %div3A_1271 : i32
        %mul3A_1294 = arith.constant 16 : i32
        %mul3A_1295 = arith.muli %select_n3A_1293, %mul3A_1294 : i32
        %get3A_1296 = arith.index_cast %mul3A_1295 : i32 to index
        %get3A_1297 = tpu.vector_load %arg13[%get3A_1296] {strides = array<i32>} : memref<512xi32, #tpu.memory_space<vmem>>, vector<16xi32>,
        %jit3A_1298 = arith.constant 16 : i32
        %eq3A_1299 = arith.constant 0 : i32
        %eq3A_1300 = arith.cmpi eq, %jit3A_1298, %eq3A_1299 : i32
        %jit3A_1301 = arith.constant 1 : i32
        %select_n3A_1302 = arith.select %eq3A_1300, %jit3A_1301, %jit3A_1298 : i32
        %rem3A_1303 = arith.remsi %add3A_1269, %select_n3A_1302 : i32
        %ne3A_1304 = arith.constant 0 : i32
        %ne3A_1305 = arith.cmpi ne, %rem3A_1303, %ne3A_1304 : i32
        %lt3A_1306 = arith.constant 0 : i32
        %lt3A_1307 = arith.cmpi slt, %rem3A_1303, %lt3A_1306 : i32
        %lt3A_1308 = arith.constant 0 : i32
        %lt3A_1309 = arith.cmpi slt, %select_n3A_1302, %lt3A_1308 : i32
        %ne3A_1310 = arith.xori %lt3A_1307, %lt3A_1309 : i1
        %and3A_1311 = arith.andi %ne3A_1310, %ne3A_1305 : i1
        %add3A_1312 = arith.addi %rem3A_1303, %select_n3A_1302 : i32
        %select_n3A_1313 = arith.select %and3A_1311, %add3A_1312, %rem3A_1303 : i32
        %eq3A_1314 = vector.broadcast %select_n3A_1313 : i32 to vector<16xi32>
        %eq3A_1315 = arith.cmpi eq, %iota3A, %eq3A_1314 : vector<16xi32>
        %jit3A_1316 = arith.constant 0 : i32
        %broadcast_in_dim3A_1317 = vector.broadcast %jit3A_1316 : i32 to vector<16xi32>
        %select_n3A_1318 = arith.select %eq3A_1315, %get3A_1297, %broadcast_in_dim3A_1317 : vector<16xi1>, vector<16xi32>
        %reduce_sum3A_1319 = arith.constant true
        %reduce_sum3A_1320 = vector.broadcast %reduce_sum3A_1319 : i1 to vector<16xi1>
        %reduce_sum3A_1321 = tpu.scan <sum>, %select_n3A_1318 masked %reduce_sum3A_1320 : vector<16xi32>, vector<16xi1> -> vector<16xi32>
        %reduce_sum3A_1322 = vector.extract %reduce_sum3A_1321[15] : i32 from vector<16xi32>
        %jit3A_1323 = arith.constant 128 : i32
        %div3A_1324 = arith.divsi %reduce_sum3A_1322, %jit3A_1323 : i32
        %sign3A_1325 = arith.constant 0 : i32
        %sign3A_1326 = arith.cmpi sgt, %reduce_sum3A_1322, %sign3A_1325 : i32
        %sign3A_1327 = arith.extui %sign3A_1326 : i1 to i32
        %sign3A_1328 = arith.constant 0 : i32
        %sign3A_1329 = arith.cmpi slt, %reduce_sum3A_1322, %sign3A_1328 : i32
        %sign3A_1330 = arith.extui %sign3A_1329 : i1 to i32
        %sign3A_1331 = arith.subi %sign3A_1327, %sign3A_1330 : i32
        %sign3A_1332 = arith.constant 0 : i32
        %sign3A_1333 = arith.cmpi sgt, %jit3A_1323, %sign3A_1332 : i32
        %sign3A_1334 = arith.extui %sign3A_1333 : i1 to i32
        %sign3A_1335 = arith.constant 0 : i32
        %sign3A_1336 = arith.cmpi slt, %jit3A_1323, %sign3A_1335 : i32
        %sign3A_1337 = arith.extui %sign3A_1336 : i1 to i32
        %sign3A_1338 = arith.subi %sign3A_1334, %sign3A_1337 : i32
        %ne3A_1339 = arith.cmpi ne, %sign3A_1331, %sign3A_1338 : i32
        %rem3A_1340 = arith.remsi %reduce_sum3A_1322, %jit3A_1323 : i32
        %ne3A_1341 = arith.constant 0 : i32
        %ne3A_1342 = arith.cmpi ne, %rem3A_1340, %ne3A_1341 : i32
        %and3A_1343 = arith.andi %ne3A_1339, %ne3A_1342 : i1
        %sub3A_1344 = arith.constant 1 : i32
        %sub3A_1345 = arith.subi %div3A_1324, %sub3A_1344 : i32
        %select_n3A_1346 = arith.select %and3A_1343, %sub3A_1345, %div3A_1324 : i32
        %mul3A_1347 = arith.constant 128 : i32
        %mul3A_1348 = arith.muli %select_n3A_1346, %mul3A_1347 : i32
        %multiple_of3A_1349 = tpu.assume_multiple %mul3A_1348, 128 : i32
        %jit3A_1350 = arith.constant 8 : i32
        %eq3A_1351 = arith.constant 0 : i32
        %eq3A_1352 = arith.cmpi eq, %jit3A_1350, %eq3A_1351 : i32
        %jit3A_1353 = arith.constant 1 : i32
        %select_n3A_1354 = arith.select %eq3A_1352, %jit3A_1353, %jit3A_1350 : i32
        %rem3A_1355 = arith.remsi %add3A_1269, %select_n3A_1354 : i32
        %ne3A_1356 = arith.constant 0 : i32
        %ne3A_1357 = arith.cmpi ne, %rem3A_1355, %ne3A_1356 : i32
        %lt3A_1358 = arith.constant 0 : i32
        %lt3A_1359 = arith.cmpi slt, %rem3A_1355, %lt3A_1358 : i32
        %lt3A_1360 = arith.constant 0 : i32
        %lt3A_1361 = arith.cmpi slt, %select_n3A_1354, %lt3A_1360 : i32
        %ne3A_1362 = arith.xori %lt3A_1359, %lt3A_1361 : i1
        %and3A_1363 = arith.andi %ne3A_1362, %ne3A_1357 : i1
        %add3A_1364 = arith.addi %rem3A_1355, %select_n3A_1354 : i32
        %select_n3A_1365 = arith.select %and3A_1363, %add3A_1364, %rem3A_1355 : i32
        %dma_start3A_1366 = arith.constant 0 : i32
        %dma_start3A_1367 = arith.constant 0 : i32
        %dma_start3A_1368 = tpu.memref_slice %arg15[%select_n3A_1365, %dma_start3A_1366, %dma_start3A_1367] : memref<8x32x128xf32, #tpu.memory_space<vmem>> -> memref<1x32x128xf32, #tpu.memory_space<vmem>>
        %dma_start3A_1369 = tpu.memref_squeeze %dma_start3A_1368 : memref<1x32x128xf32, #tpu.memory_space<vmem>> -> memref<32x128xf32, #tpu.memory_space<vmem>>
        %dma_start3A_1370 = arith.constant 0 : i32
        %dma_start3A_1371 = tpu.memref_slice %arg5[%dma_start3A_1370, %multiple_of3A_1349] : memref<32x1000001xf32, #tpu.memory_space<hbm>> -> memref<32x128xf32, #tpu.memory_space<hbm>>
        %dma_start3A_1372 = arith.constant 0 : i32
        %dma_start3A_1373 = arith.constant 0 : i32
        %dma_start3A_1374 = tpu.memref_slice %arg15[%select_n3A_1365, %dma_start3A_1372, %dma_start3A_1373] : memref<8x32x128xf32, #tpu.memory_space<vmem>> -> memref<1x32x128xf32, #tpu.memory_space<vmem>>
        %dma_start3A_1375 = tpu.memref_squeeze %dma_start3A_1374 : memref<1x32x128xf32, #tpu.memory_space<vmem>> -> memref<32x128xf32, #tpu.memory_space<vmem>>
        %dma_start3A_1376 = arith.constant 0 : i32
        %dma_start3A_1377 = tpu.memref_slice %arg5[%dma_start3A_1376, %multiple_of3A_1349] : memref<32x1000001xf32, #tpu.memory_space<hbm>> -> memref<32x128xf32, #tpu.memory_space<hbm>>
        tpu.enqueue_dma source(%dma_start3A_1377 : memref<32x128xf32, #tpu.memory_space<hbm>>) target(%dma_start3A_1375 : memref<32x128xf32, #tpu.memory_space<vmem>>) target_semaphore(%arg21 : memref<!tpu.dma_semaphore, #tpu.memory_space<semaphore_mem>>)
      } else {
      }
    }
    %scan3A_828 = arith.constant 512 : i32
    %mul3A_829 = arith.constant 4 : i32
    %mul3A_830 = arith.muli %add3A, %mul3A_829 : i32
    "tpu.region"() ({
      %run_scoped3A = tpu.sem_alloc : memref<!tpu.dma_semaphore, #tpu.memory_space<semaphore_mem>>
      %dma_start3A_836 = arith.constant 0 : i32
      %dma_start3A_837 = arith.constant 0 : i32
      %dma_start3A_838 = tpu.memref_slice %arg8[%mul3A_830, %dma_start3A_836, %dma_start3A_837] : memref<128x32x128xf32, #tpu.memory_space<hbm>> -> memref<4x32x128xf32, #tpu.memory_space<hbm>>
      %dma_start3A_839 = arith.constant 0 : i32
      %dma_start3A_840 = arith.constant 0 : i32
      %dma_start3A_841 = tpu.memref_slice %arg8[%mul3A_830, %dma_start3A_839, %dma_start3A_840] : memref<128x32x128xf32, #tpu.memory_space<hbm>> -> memref<4x32x128xf32, #tpu.memory_space<hbm>>
      tpu.enqueue_dma source(%arg16 : memref<4x32x128xf32, #tpu.memory_space<vmem>>) target(%dma_start3A_841 : memref<4x32x128xf32, #tpu.memory_space<hbm>>) target_semaphore(%run_scoped3A : memref<!tpu.dma_semaphore, #tpu.memory_space<semaphore_mem>>)
      %dma_wait3A_842 = arith.constant 0 : i32
      %dma_wait3A_843 = arith.constant 0 : i32
      %dma_wait3A_844 = tpu.memref_slice %arg8[%mul3A_830, %dma_wait3A_842, %dma_wait3A_843] : memref<128x32x128xf32, #tpu.memory_space<hbm>> -> memref<4x32x128xf32, #tpu.memory_space<hbm>>
      %dma_wait3A_845 = arith.constant 0 : i32
      %dma_wait3A_846 = arith.constant 0 : i32
      %dma_wait3A_847 = tpu.memref_slice %arg8[%mul3A_830, %dma_wait3A_845, %dma_wait3A_846] : memref<128x32x128xf32, #tpu.memory_space<hbm>> -> memref<4x32x128xf32, #tpu.memory_space<hbm>>
      tpu.wait_dma2 semaphore(%run_scoped3A : memref<!tpu.dma_semaphore, #tpu.memory_space<semaphore_mem>>) src(%arg16 : memref<4x32x128xf32, #tpu.memory_space<vmem>>) dst(%dma_wait3A_847 : memref<4x32x128xf32, #tpu.memory_space<hbm>>)
      tpu.yield
    }) : () -> ()
    %mul3A_831 = arith.constant 4 : i32
    %mul3A_832 = arith.muli %add3A, %mul3A_831 : i32
    "tpu.region"() ({
      %run_scoped3A = tpu.sem_alloc : memref<!tpu.dma_semaphore, #tpu.memory_space<semaphore_mem>>
      %dma_start3A_836 = arith.constant 0 : i32
      %dma_start3A_837 = arith.constant 0 : i32
      %dma_start3A_838 = tpu.memref_slice %arg9[%mul3A_832, %dma_start3A_836, %dma_start3A_837] : memref<128x32x128xf32, #tpu.memory_space<hbm>> -> memref<4x32x128xf32, #tpu.memory_space<hbm>>
      %dma_start3A_839 = arith.constant 0 : i32
      %dma_start3A_840 = arith.constant 0 : i32
      %dma_start3A_841 = tpu.memref_slice %arg9[%mul3A_832, %dma_start3A_839, %dma_start3A_840] : memref<128x32x128xf32, #tpu.memory_space<hbm>> -> memref<4x32x128xf32, #tpu.memory_space<hbm>>
      tpu.enqueue_dma source(%arg17 : memref<4x32x128xf32, #tpu.memory_space<vmem>>) target(%dma_start3A_841 : memref<4x32x128xf32, #tpu.memory_space<hbm>>) target_semaphore(%run_scoped3A : memref<!tpu.dma_semaphore, #tpu.memory_space<semaphore_mem>>)
      %dma_wait3A_842 = arith.constant 0 : i32
      %dma_wait3A_843 = arith.constant 0 : i32
      %dma_wait3A_844 = tpu.memref_slice %arg9[%mul3A_832, %dma_wait3A_842, %dma_wait3A_843] : memref<128x32x128xf32, #tpu.memory_space<hbm>> -> memref<4x32x128xf32, #tpu.memory_space<hbm>>
      %dma_wait3A_845 = arith.constant 0 : i32
      %dma_wait3A_846 = arith.constant 0 : i32
      %dma_wait3A_847 = tpu.memref_slice %arg9[%mul3A_832, %dma_wait3A_845, %dma_wait3A_846] : memref<128x32x128xf32, #tpu.memory_space<hbm>> -> memref<4x32x128xf32, #tpu.memory_space<hbm>>
      tpu.wait_dma2 semaphore(%run_scoped3A : memref<!tpu.dma_semaphore, #tpu.memory_space<semaphore_mem>>) src(%arg17 : memref<4x32x128xf32, #tpu.memory_space<vmem>>) dst(%dma_wait3A_847 : memref<4x32x128xf32, #tpu.memory_space<hbm>>)
      tpu.yield
    }) : () -> ()
    %dma_wait3A = arith.constant 0 : i32
    %dma_wait3A_833 = tpu.memref_slice %arg6[%dma_wait3A] : memref<1000001xf32, #tpu.memory_space<hbm>> -> memref<1000001xf32, #tpu.memory_space<hbm>>
    tpu.wait_indirect_dma semaphore(%arg22 : memref<!tpu.dma_semaphore, #tpu.memory_space<semaphore_mem>>) src(%dma_wait3A_833 : memref<1000001xf32, #tpu.memory_space<hbm>>) dst(%arg18 : memref<512xf32, #tpu.memory_space<vmem>>)
    %dma_wait3A_834 = arith.constant 0 : i32
    %dma_wait3A_835 = tpu.memref_slice %arg7[%dma_wait3A_834] : memref<1000001xf32, #tpu.memory_space<hbm>> -> memref<1000001xf32, #tpu.memory_space<hbm>>
    tpu.wait_indirect_dma semaphore(%arg23 : memref<!tpu.dma_semaphore, #tpu.memory_space<semaphore_mem>>) src(%dma_wait3A_835 : memref<1000001xf32, #tpu.memory_space<hbm>>) dst(%arg19 : memref<512xf32, #tpu.memory_space<vmem>>)
    "tpu.region"() ({
      %run_scoped3A = tpu.sem_alloc : memref<!tpu.dma_semaphore, #tpu.memory_space<semaphore_mem>>
      %dma_start3A_836 = tpu.memref_slice %arg10[%mul3A_2] : memref<16384xf32, #tpu.memory_space<hbm>> -> memref<512xf32, #tpu.memory_space<hbm>>
      %dma_start3A_837 = tpu.memref_slice %arg10[%mul3A_2] : memref<16384xf32, #tpu.memory_space<hbm>> -> memref<512xf32, #tpu.memory_space<hbm>>
      tpu.enqueue_dma source(%arg18 : memref<512xf32, #tpu.memory_space<vmem>>) target(%dma_start3A_837 : memref<512xf32, #tpu.memory_space<hbm>>) target_semaphore(%run_scoped3A : memref<!tpu.dma_semaphore, #tpu.memory_space<semaphore_mem>>)
      %dma_wait3A_838 = tpu.memref_slice %arg10[%mul3A_2] : memref<16384xf32, #tpu.memory_space<hbm>> -> memref<512xf32, #tpu.memory_space<hbm>>
      %dma_wait3A_839 = tpu.memref_slice %arg10[%mul3A_2] : memref<16384xf32, #tpu.memory_space<hbm>> -> memref<512xf32, #tpu.memory_space<hbm>>
      tpu.wait_dma2 semaphore(%run_scoped3A : memref<!tpu.dma_semaphore, #tpu.memory_space<semaphore_mem>>) src(%arg18 : memref<512xf32, #tpu.memory_space<vmem>>) dst(%dma_wait3A_839 : memref<512xf32, #tpu.memory_space<hbm>>)
      tpu.yield
    }) : () -> ()
    "tpu.region"() ({
      %run_scoped3A = tpu.sem_alloc : memref<!tpu.dma_semaphore, #tpu.memory_space<semaphore_mem>>
      %dma_start3A_836 = tpu.memref_slice %arg11[%mul3A_2] : memref<16384xf32, #tpu.memory_space<hbm>> -> memref<512xf32, #tpu.memory_space<hbm>>
      %dma_start3A_837 = tpu.memref_slice %arg11[%mul3A_2] : memref<16384xf32, #tpu.memory_space<hbm>> -> memref<512xf32, #tpu.memory_space<hbm>>
      tpu.enqueue_dma source(%arg19 : memref<512xf32, #tpu.memory_space<vmem>>) target(%dma_start3A_837 : memref<512xf32, #tpu.memory_space<hbm>>) target_semaphore(%run_scoped3A : memref<!tpu.dma_semaphore, #tpu.memory_space<semaphore_mem>>)
      %dma_wait3A_838 = tpu.memref_slice %arg11[%mul3A_2] : memref<16384xf32, #tpu.memory_space<hbm>> -> memref<512xf32, #tpu.memory_space<hbm>>
      %dma_wait3A_839 = tpu.memref_slice %arg11[%mul3A_2] : memref<16384xf32, #tpu.memory_space<hbm>> -> memref<512xf32, #tpu.memory_space<hbm>>
      tpu.wait_dma2 semaphore(%run_scoped3A : memref<!tpu.dma_semaphore, #tpu.memory_space<semaphore_mem>>) src(%arg19 : memref<512xf32, #tpu.memory_space<vmem>>) dst(%dma_wait3A_839 : memref<512xf32, #tpu.memory_space<hbm>>)
      tpu.yield
    }) : () -> ()
    return
  }
}

</mosaic_0001>

<sc_bundles>
// kernel: glove_page_sc.3.cloned.1.call-start
scs
__scs_entry_jumppad:
0x0: {  	(pc) =	sbr.rel $0x88, $3  }
0x1: {  	(tag) =	ssettag $0x0;
	lr =	simm.s32 $0x1  }
0x2: {  	[smem:$0x3F9B] =	sst lr;
	_ =	strace $0xD0000000  }
0x3: {  	_ = 	snop  }
0x4: {  	_ = 	snop  }
0x5: {  	_ = 	snop  }
0x6: {  	_ = 	snop  }
0x7: {  	_ = 	snop  }
__scs_overlays_trampoline_lowered:
0x8: {  	[smem:$0x3FAA] =	sst s0  }
0x9: {  	[smem:$0x3FAB] =	sst s1  }
0xa: {  	[smem:$0x3FAC] =	sst s2  }
0xb: {  	[smem:$0x3FAD] =	sst s3  }
0xc: {  	[smem:$0x3FAE] =	sst s4  }
0xd: {  	[smem:$0x3FAF] =	sst s5  }
0xe: {  	[smem:$0x3FB0] =	sst s6  }
0xf: {  	[smem:$0x3FB1] =	sst s7  }
0x10: {  	[smem:$0x3FB2] =	sst s8  }
0x11: {  	[smem:$0x3FB3] =	sst s9;
	s0 =	simm.s32 @!p0 $0x0  }
0x12: {  	s1 =	sld [smem:$0x3F99];
	s0 =	simm.s32 @p0 $0x1  }
0x13: {  	[smem:$0x3FB4] =	sst s0;
	s0 =	simm.s32 @!p1 $0x0  }
0x14: {  	s2 =	sld [smem:$0x3F98];
	s0 =	simm.s32 @p1 $0x1  }
0x15: {  	[smem:$0x3FB5] =	sst s0;
	s0 =	simm.s32 @!p2 $0x0  }
0x16: {  	s3 =	sld [smem:$0x3FDB];
	s0 =	simm.s32 @p2 $0x1  }
0x17: {  	s4 =	simm.s32 $0x1BF5;
	[smem:$0x3FB7] =	sst s0  }
0x18: {  	s0 =	sld [smem:$0x3F9A];
	_ =	swait.ge [sflag:s4], $0x0  }
0x19: {  	s7 =	sld [smem:$0x3F9B]  }
0x1a: {  	s8 =	sadd.s32 $0xFFFFE003, lr  }
0x1b: {  	s9 =	sadd.s32 $0xFFFFFEF7, lr;
	s5 =	simm.s32 $0xFFFFFFFF;
	p2 =	slt.u32 s8, $0xFFFFF086  }
0x1c: {  	p1 =	slt.u32 s9, $0xF7A;
	s5 =	simm.s32 @!p2 $0x0  }
0x1d: {  	s5 =	simm.s32 @p1 $0x1;
	p0 =	seq.s32 s7, s2  }
0x1e: {  	s7 =	smul.u32 @!p0 $0xF7A, s2;
	p2 =	seq.s32 @!p0 s5, $0x0  }
0x1f: {  	s9 =	smul.u32 $0xF7A, s1;
	s8 =	simm.s32 @!p0 $0x1BF5;
	p2 =	por !p2, p0  }
0x20: {  	[sflag:s8] =	ssyncset.s32 @!p0 $0xFFFFF086;
	s6 =	sadd.s32 @!p0 s3, s7;
	s7 =	simm.s32 @!p0 $0x108  }
0x21: {  	s3 =	sadd.s32 s3, s9;
	s6 =	sadd.s32 @!p0 $0x88, s6;
	s7 =	simm.s32 @p2 $0x1082  }
0x22: {  	[simem:s7], [sflag:s8] =	dma.local @!p0 [hbm:s6], $0xF7A  }
0x23: {  	s9 =	sor.u32 $0xD0000000, s2;
	s6 =	simm.s32 $0x108;
	_ =	swait.ge @!p0 [sflag:s8], $0x0  }
0x24: {  	s3 =	sadd.s32 $0x88, s3;
	s6 =	simm.s32 @!p1 $0x1082;
	[sflag:s4] =	ssyncset.s32 $0xFFFFF086  }
0x25: {  	[simem:s6], [sflag:s4] =	dma.local [hbm:s3], $0xF7A  }
0x26: {  	[smem:$0x3F9B] =	sst s1;
	(tag) =	ssettag s2;
	_ =	strace s9  }
0x27: {  	s1 =	sld [smem:$0x3FAB]  }
0x28: {  	s2 =	sld [smem:$0x3FAC]  }
0x29: {  	s4 =	sld [smem:$0x3FAE]  }
0x2a: {  	p0 =	seq.s32 s5, $0x0;
	s5 =	sld [smem:$0x3FAF]  }
0x2b: {  	s6 =	sld [smem:$0x3FB0]  }
0x2c: {  	s7 =	sld [smem:$0x3FB1]  }
0x2d: {  	s3 =	simm.s32 $0x108;
	s8 =	sld [smem:$0x3FB2]  }
0x2e: {  	s3 =	simm.s32 @!p0 $0x1082;
	s9 =	sld [smem:$0x3FB3]  }
0x2f: {  	lr =	sadd.s32 s0, s3;
	s0 =	sld [smem:$0x3FAA]  }
0x30: {  	s3 =	sld [smem:$0x3FAD]  }
0x31: {  	[smem:$0x3FB6] =	sst s10  }
0x32: {  	s10 =	sld [smem:$0x3FB4];
	_ =	sdelay $0x3  }
0x33: {  	p0 =	seq.s32 s10, $0x1;
	s10 =	sld [smem:$0x3FB6];
	_ =	sdelay $0x3  }
0x34: {  	[smem:$0x3FB6] =	sst s10  }
0x35: {  	s10 =	sld [smem:$0x3FB5];
	_ =	sdelay $0x3  }
0x36: {  	p1 =	seq.s32 s10, $0x1;
	s10 =	sld [smem:$0x3FB6];
	_ =	sdelay $0x3  }
0x37: {  	[smem:$0x3FB6] =	sst s10  }
0x38: {  	s10 =	sld [smem:$0x3FB7]  }
0x39: {  	_ = 	snop;
	(pc) =	sbr.ind lr, $3  }
0x3a: {  	_ = 	snop  }
0x3b: {  	_ = 	snop  }
0x3c: {  	p2 =	seq.s32 s10, $0x1;
	s10 =	sld [smem:$0x3FB6]  }
0x3d: {  	_ =	shalt  }
0x3e: {  	_ =	shalt  }
0x3f: {  	_ =	shalt  }
0x40: {  	_ =	shalt  }
0x41: {  	_ =	shalt  }
0x42: {  	_ =	shalt  }
0x43: {  	_ =	shalt  }
0x44: {  	_ =	shalt  }
0x45: {  	_ =	shalt  }
0x46: {  	_ =	shalt  }
0x47: {  	_ =	shalt  }
0x48: {  	_ =	shalt  }
0x49: {  	_ =	shalt  }
0x4a: {  	_ =	shalt  }
0x4b: {  	_ =	shalt  }
0x4c: {  	_ =	shalt  }
0x4d: {  	_ =	shalt  }
0x4e: {  	_ =	shalt  }
0x4f: {  	_ =	shalt  }
0x50: {  	_ =	shalt  }
0x51: {  	_ =	shalt  }
0x52: {  	_ =	shalt  }
0x53: {  	_ =	shalt  }
0x54: {  	_ =	shalt  }
0x55: {  	_ =	shalt  }
0x56: {  	_ =	shalt  }
0x57: {  	_ =	shalt  }
0x58: {  	_ =	shalt  }
0x59: {  	_ =	shalt  }
0x5a: {  	_ =	shalt  }
0x5b: {  	_ =	shalt  }
0x5c: {  	_ =	shalt  }
0x5d: {  	_ =	shalt  }
0x5e: {  	_ =	shalt  }
0x5f: {  	_ =	shalt  }
0x60: {  	_ =	shalt  }
0x61: {  	_ =	shalt  }
0x62: {  	_ =	shalt  }
0x63: {  	_ =	shalt  }
0x64: {  	_ =	shalt  }
0x65: {  	_ =	shalt  }
0x66: {  	_ =	shalt  }
0x67: {  	_ =	shalt  }
0x68: {  	_ =	shalt  }
0x69: {  	_ =	shalt  }
0x6a: {  	_ =	shalt  }
0x6b: {  	_ =	shalt  }
0x6c: {  	_ =	shalt  }
0x6d: {  	_ =	shalt  }
0x6e: {  	_ =	shalt  }
0x6f: {  	_ =	shalt  }
0x70: {  	_ =	shalt  }
0x71: {  	_ =	shalt  }
0x72: {  	_ =	shalt  }
0x73: {  	_ =	shalt  }
0x74: {  	_ =	shalt  }
0x75: {  	_ =	shalt  }
0x76: {  	_ =	shalt  }
0x77: {  	_ =	shalt  }
0x78: {  	_ =	shalt  }
0x79: {  	_ =	shalt  }
0x7a: {  	_ =	shalt  }
0x7b: {  	_ =	shalt  }
0x7c: {  	_ =	shalt  }
0x7d: {  	_ =	shalt  }
0x7e: {  	_ =	shalt  }
0x7f: {  	_ =	shalt  }
0x80: {  	_ =	shalt  }
0x81: {  	_ =	shalt  }
0x82: {  	_ =	shalt  }
0x83: {  	_ =	shalt  }
0x84: {  	_ =	shalt  }
0x85: {  	_ =	shalt  }
0x86: {  	_ =	shalt  }
0x87: {  	_ =	shalt  }
.Lfunc_end0:
.L_simem_size_0:
called_computation_lowered:
.L_overlay_start_0:
0x88: {  	s2 =	sld [smem:$0x3FD9]  }
0x89: {  	s3 =	sld [smem:$0x3FFE];
	_ =	sdelay $0x1  }
0x8a: {  	s1 =	srdreg.scid  }
0x8b: {  	s0 =	sand.u32 $0x1, s1  }
0x8c: {  	s14 =	sshll.u32 s0, $0xA;
	s2 =	sadd.s32 s3, s2  }
0x8d: {  	s2 =	sadd.s32 s2, s14  }
0x8e: {  	[smem:$0x3FC2] =	sst s2  }
0x8f: {  	_ = 	snop  }
0x90: {  	s2 =	sld [smem:$0x3FC9]  }
0x91: {  	s15 =	sld [smem:$0x3FD0]  }
0x92: {  	s4 =	sld [smem:$0x3FC8]  }
0x93: {  	s5 =	sld [smem:$0x3FC7]  }
0x94: {  	s7 =	simm.s32 $0xA;
	s8 =	simm.s32 $0x10;
	s6 =	sld [smem:$0x3FC6]  }
0x95: {  	[smem:s8], [sflag:s7] =	dma.local [hbm:s15], $0x1  }
0x96: {  	_ =	swait.eq [sflag:s7], $0x1  }
0x97: {  	[sflag:s7] =	ssyncset.done $0x0  }
0x98: {  	s16 =	sld [smem:$0x12];
	[sflag:s7] =	ssyncadd.s32 $0xFFFFFFFF  }
0x99: {  	s17 =	sld [smem:$0x13];
	(tm) =	ssettm $0x1  }
0x9a: {  	s18 =	sld [smem:$0x3FFB];
	_ =	sdelay $0x3  }
0x9b: {  	_ =	strace s18  }
0x9c: {  	s8 =	sld [smem:$0x3FFC];
	_ =	sdelay $0x3  }
0x9d: {  	_ =	strace s8  }
0x9e: {  	s8 =	sld [smem:$0x3FFD];
	_ =	sdelay $0x3  }
0x9f: {  	_ =	strace s8  }
0xa0: {  	_ =	strace $0x8FFFFFFF  }
0xa1: {  	s19 =	sld [smem:$0x3FDB];
	_ =	sdelay $0x1  }
0xa2: {  	s9 =	simm.s32 $_scs_section_size  }
0xa3: {  	s10 =	simm.s32 $_size__tile_overlayer_lowered;
	s11 =	simm.s32 $_tile_overlayer_lowered  }
0xa4: {  	s22 =	simm.s32 $0x1BFF;
	s21 =	sshll.u32 s11, $0x1;
	s8 =	sadd.s32 s9, s19  }
0xa5: {  	s12 =	simm.s32 $0x0;
	s20 =	sshll.u32 s10, $0x1;
	s10 =	sadd.s32 s21, s8  }
0xa6: {  	[timem:s12], [sflag:s22] =	dma.local [hbm:s10], s20  }
0xa7: {  	_ =	swait.ge [sflag:s22], s20  }
0xa8: {  	s9 =	ssub.s32 $0x0, s20;
	[sflag:s22] =	ssyncset.done $0x0  }
0xa9: {  	[sflag:s22] =	ssyncadd.s32 s9;
	_ =	sdelay $0x1  }
0xaa: {  	s23 =	simm.s32 $0x1B8B  }
0xab: {  	_ =	swait.ge [sflag:s23], $0x1  }
0xac: {  	[sflag:s23] =	ssyncset.done $0x0  }
0xad: {  	s25 =	simm.s32 $0x1B8E;
	s24 =	sld [smem:$0x3FFE];
	[sflag:s23] =	ssyncadd.s32 $0xFFFFFFFF  }
0xae: {  	s26 =	simm.s32 $execute0_lowered;
	[smem:$0x3FD2] =	sst s25  }
0xaf: {  	s10 =	sshll.u32 s26, $0x1;
	_ =	strace $0x80000046;
	[dreg:$0x1] =	wrdreg $0xFFFFFFFF  }
0xb0: {  	s28 =	simm.s32 $_size_execute0_lowered;
	s8 =	sadd.s32 s8, s10;
	[dreg:$0x0] =	wrdreg $0x0  }
0xb1: {  	s10 =	sshll.u32 s28, $0x1;
	[dreg:$0x2] =	wrdreg s8  }
0xb2: {  	[dreg:$0x3] =	wrdreg s10  }
0xb3: {  	[dreg:$0x4] =	wrdreg $0xC0  }
0xb4: {  	_ =	task [dreg:s12], $0x5FFFF  }
0xb5: {  	[dreg:$0x1] =	wrdreg $0xFFFFFFFF  }
0xb6: {  	[dreg:$0x0] =	wrdreg $0x60  }
0xb7: {  	[dreg:$0x2] =	wrdreg s2  }
0xb8: {  	[dreg:$0x3] =	wrdreg s4  }
0xb9: {  	[dreg:$0x4] =	wrdreg s5  }
0xba: {  	[dreg:$0x5] =	wrdreg s6  }
0xbb: {  	[dreg:$0x6] =	wrdreg s24  }
0xbc: {  	[dreg:$0x7] =	wrdreg s16  }
0xbd: {  	[dreg:$0x8] =	wrdreg s17  }
0xbe: {  	[dreg:$0x9] =	wrdreg $0x9  }
0xbf: {  	_ =	task.clear_ibuf [dreg:s12], $0xAFFFF;
	_ =	strace $0x90000046  }
0xc0: {  	s29 =	simm.s32 $0x9;
	_ =	strace $0x80000048  }
0xc1: {  	_ =	swait.ge [sflag:s29], $0x1  }
0xc2: {  	[sflag:s29] =	ssyncadd.s32 $0xFFFFFFFF  }
0xc3: {  	_ =	strace $0x90000048  }
0xc4: {  	_ =	sfence  }
0xc5: {  	s30 =	sld [smem:$0x0];
	_ =	sdelay $0x2  }
0xc6: {  	s31 =	sshll.u32 s1, $0xD;
	s1 =	sshrl.u32 s1, $0x2  }
0xc7: {  	s3 =	sand.u32 $0x4000, s31;
	s1 =	sadd.s32 s1, s30  }
0xc8: {  	s0 =	sor.u32 s3, s0;
	s1 =	sshll.u32 s1, $0x11  }
0xc9: {  	s0 =	sor.u32 s1, s0  }
0xca: {  	s0 =	sadd.s32 $0x8F2B, s0  }
0xcb: {  	[sflag:s0] =	ssyncadd.remote.s32 $0x1  }
0xcc: {  	_ =	sfence.sel $0xFFFF  }
0xcd: {  	[dreg:$0x0] =	wrdreg $0xFFFFFFFF;
	(pc) =	sbr.abs _section_cstart, $3  }
0xce: {  	[dreg:$0x1] =	wrdreg $0xFFFFFFFF  }
0xcf: {  	_ =	task.clear_ibuf [dreg:s12], $0x2FFFF;
	_ =	strace $0x9FFFFFFF  }
0xd0: {  	(tm) =	ssettm $0x7FFFFFFF  }
0xd1: {  	_ =	shalt  }
tec
execute0_lowered:
.L_overlay_start_1:
0x0: {  	(tag) =	ssettag $0x1  }
0x1: {  	s0 =	rddreg [dreg:$0x0]  }
0x2: {  	s3 =	rddreg [dreg:$0x1]  }
0x3: {  	s1 =	rddreg [dreg:$0x2]  }
0x4: {  	s2 =	rddreg [dreg:$0x3]  }
0x5: {  	s7 =	rddreg [dreg:$0x4]  }
0x6: {  	s11 =	rddreg [dreg:$0x5]  }
0x7: {  	s12 =	rddreg [dreg:$0x6];
	s4 =	simm.s32 $0x0  }
0x8: {  	s5 =	srdreg.scid;
	s6 =	stileid.u32;
	s15 =	simm.s32 $0x200  }
0x9: {  	s16 =	simm.s32 $0x18400;
	s17 =	simm.s32 $0x18600;
	s18 =	simm.s32 $0x1  }
0xa: {  	s19 =	simm.s32 $0x7A1400;
	s20 =	simm.s32 $0x400;
	s21 =	simm.s32 $0x8400  }
0xb: {  	s28 =	simm.s32 $0x14400;
	s29 =	simm.s32 $0x3;
	s30 =	simm.s32 $0x4  }
0xc: {  	s31 =	simm.s32 $0x0;
	[smem:$0x7FF] =	sst s4;
	s8 =	sand.u32 $0x1, s5  }
0xd: {  	s6 =	sshll.u32 s6, $0x1;
	s24 =	sadd.s32 $0x200, s7;
	s25 =	sadd.s32 $0x1EC00, s7  }
0xe: {  	_ =	strace $0x80000047;
	[dreg:$0x8] =	wrdreg s24;
	s9 =	sor.u32 s8, s6  }
0xf: {  	[dreg:$0x9] =	wrdreg s25;
	s8 =	ssub.s32 $0x2, s8;
	s25 =	simm.s32 $0x10400  }
0x10: {  	s10 =	sshll.u32 s9, $0xB;
	s26 =	sshrl.u32 s8, $0x1;
	s13 =	sshll.u32 s9, $0x6  }
0x11: {  	vm0 =	vmmov $0x1;
	v0 =	vlaneseq.u32;
	s10 =	sadd.s32 s10, s7;
	s14 =	ssub.s32 s8, s26;
	s0 =	sadd.s32 s0, s13  }
0x12: {  	vm1 =	vcmask $0x308;
	vm2 =	vcmask $0x70C;
	v1 =	vmul.u32 $0x80, v0;
	s8 =	sadd.s32 s3, s13;
	s11 =	sadd.s32 s11, s13;
	s12 =	sadd.s32 s12, s13  }
0x13: {  	vm3 =	vcmask $0xB10;
	vm4 =	vcmask $0xF14;
	vm5 =	vcmask $0x1318;
	s26 =	simm.s32 $0x2;
	[dreg:$0xa] =	wrdreg s0;
	s9 =	sadd.s32 $0x3D600, s10  }
0x14: {  	vm6 =	vcmask $0x171C;
	vm7 =	vcmask $0x1B20;
	v2 =	vor.u32 $0x800, v1;
	s10 =	sadd.s32 $0x4D600, s10;
	s13 =	smax.u32 s14, $0x1;
	s14 =	simm.s32 $0x5  }
.LBB2_1:
0x15: {  	s0 =	rddreg [dreg:$0xa]  }
0x16: {  	[tilespmem:s4], [sflag:$0x5] =	stream.linear.gather [hbm4b:s0+s4], $0x200, $0x38;
	[tilespmem:$0x18800] =	vst v63  }
0x17: {  	_ =	swait.ge [sflag:s14], $0x200  }
0x18: {  	[sflag:s14] =	ssyncset.done $0x0  }
0x19: {  	[sflag:s14] =	ssyncadd.s32 $0xFFFFFE00  }
0x1a: {  	[tilespmem:s15], [sflag:$0x5] =	stream.linear.gather [hbm4b:s8+s4], $0x200, $0x38;
	[tilespmem:$0x18800] =	vst v63  }
0x1b: {  	_ =	swait.ge [sflag:s14], $0x200  }
0x1c: {  	[sflag:s14] =	ssyncset.done $0x0  }
0x1d: {  	s22 =	rddreg [dreg:$0x8];
	[sflag:s14] =	ssyncadd.s32 $0xFFFFFE00  }
0x1e: {  	[tilespmem:s16], [sflag:$0x3] =	stream.indirect.gather [hbm4b:s22+s15], $0x1, s4, s15, $0xb8;
	[tilespmem:$0x18800] =	vst v63  }
0x1f: {  	s23 =	rddreg [dreg:$0x9]  }
0x20: {  	[tilespmem:s17], [sflag:$0x4] =	stream.indirect.gather [hbm4b:s23+s15], $0x1, s15, s15, $0xb8;
	[tilespmem:$0x18800] =	vst v63  }
0x21: {  	v3 =	vld [tilespmem:$0x0];
	_ =	sdelay $0x4  }
0x22: {  	v3 =	vnsel vm0, $0x0, v3  }
0x23: {  	(xrf0) =	vadd.scan.msk.s32 $0xffff, v3;
	_ =	sdelay $0x5  }
0x24: {  	v3, _, _ =	vpop (xrf0)  }
0x25: {  	(v2sf) =	vpush v3, $0xF;
	_ =	sdelay $0xe  }
0x26: {  	s24 =	spop (v2sf)  }
0x27: {  	s3 =	sand.u32 $0x7F, s24  }
0x28: {  	s5 =	sshra.s32 s24, $0x1F;
	p1 =	slt.s32 s24, $0x1;
	p0 =	sne.s32 s3, $0x0  }
0x29: {  	s3 =	sshrl.u32 s5, $0x19;
	p0 =	por !p1, !p0  }
0x2a: {  	s0 =	sadd.s32 s3, s24;
	s3 =	simm.s32 $0x1;
	p0 =	por !p0, !p0  }
0x2b: {  	s0 =	sshrl.u32 s0, $0x7;
	s3 =	simm.s32 @!p0 $0x0  }
0x2c: {  	s0 =	ssub.s32 s0, s3  }
0x2d: {  	s0 =	sshll.u32 s0, $0x7  }
0x2e: {  	s0 =	sand.u32 $0x1FFFFF80, s0  }
0x2f: {  	s0 =	sadd.s32 s1, s0  }
0x30: {  	[tilespmem:s20], [sflag:$0x1] =	stream.strided.gather [hbm4b:s0+s20], $0x1000, s19, s20, $0x38;
	[tilespmem:$0x18800] =	vst v63  }
0x31: {  	v3 =	vld [tilespmem:$0x200];
	_ =	sdelay $0x4  }
0x32: {  	v3 =	vnsel vm0, $0x0, v3  }
0x33: {  	(xrf0) =	vadd.scan.msk.s32 $0xffff, v3;
	_ =	sdelay $0x5  }
0x34: {  	v3, _, _ =	vpop (xrf0)  }
0x35: {  	(v2sf) =	vpush v3, $0xF;
	_ =	sdelay $0xe  }
0x36: {  	s6 =	spop (v2sf)  }
0x37: {  	s7 =	sand.u32 $0x7F, s6  }
0x38: {  	s22 =	sshra.s32 s6, $0x1F;
	p2 =	slt.s32 s6, $0x1;
	p1 =	sne.s32 s7, $0x0  }
0x39: {  	s3 =	sshrl.u32 s22, $0x19;
	p0 =	por !p2, !p1  }
0x3a: {  	s0 =	sadd.s32 s3, s6;
	s3 =	simm.s32 $0x1;
	p0 =	por !p0, !p0  }
0x3b: {  	s0 =	sshrl.u32 s0, $0x7;
	s3 =	simm.s32 @!p0 $0x0  }
0x3c: {  	s0 =	ssub.s32 s0, s3  }
0x3d: {  	s0 =	sshll.u32 s0, $0x7  }
0x3e: {  	s0 =	sand.u32 $0x1FFFFF80, s0  }
0x3f: {  	s0 =	sadd.s32 s2, s0  }
0x40: {  	[tilespmem:s21], [sflag:$0x2] =	stream.strided.gather [hbm4b:s0+s20], $0x1000, s19, s20, $0x38;
	[tilespmem:$0x18800] =	vst v63  }
0x41: {  	v3 =	vld [tilespmem:$0x0];
	_ =	sdelay $0x4  }
0x42: {  	v3 =	vsel vm1, $0x0, v3  }
0x43: {  	(xrf0) =	vadd.scan.msk.s32 $0xffff, v3;
	_ =	sdelay $0x5  }
0x44: {  	v3, _, _ =	vpop (xrf0)  }
0x45: {  	(v2sf) =	vpush v3, $0xF;
	_ =	sdelay $0xe  }
0x46: {  	s23 =	spop (v2sf)  }
0x47: {  	s24 =	sand.u32 $0x7F, s23  }
0x48: {  	s5 =	sshra.s32 s23, $0x1F;
	p4 =	slt.s32 s23, $0x1;
	p3 =	sne.s32 s24, $0x0  }
0x49: {  	s3 =	sshrl.u32 s5, $0x19;
	p0 =	por !p4, !p3  }
0x4a: {  	s0 =	sadd.s32 s3, s23;
	s3 =	simm.s32 $0x1;
	p0 =	por !p0, !p0  }
0x4b: {  	s0 =	sshrl.u32 s0, $0x7;
	s3 =	simm.s32 @!p0 $0x0  }
0x4c: {  	s0 =	ssub.s32 s0, s3  }
0x4d: {  	s0 =	sshll.u32 s0, $0x7  }
0x4e: {  	s0 =	sand.u32 $0x1FFFFF80, s0  }
0x4f: {  	s6 =	simm.s32 $0x1400;
	s0 =	sadd.s32 s1, s0  }
0x50: {  	[tilespmem:s6], [sflag:$0x1] =	stream.strided.gather [hbm4b:s0+s20], $0x1000, s19, s20, $0x38;
	[tilespmem:$0x18800] =	vst v63  }
0x51: {  	v3 =	vld [tilespmem:$0x200];
	_ =	sdelay $0x4  }
0x52: {  	v3 =	vsel vm1, $0x0, v3  }
0x53: {  	(xrf0) =	vadd.scan.msk.s32 $0xffff, v3;
	_ =	sdelay $0x5  }
0x54: {  	v3, _, _ =	vpop (xrf0)  }
0x55: {  	(v2sf) =	vpush v3, $0xF;
	_ =	sdelay $0xe  }
0x56: {  	s7 =	spop (v2sf)  }
0x57: {  	s22 =	sand.u32 $0x7F, s7  }
0x58: {  	s23 =	sshra.s32 s7, $0x1F;
	p6 =	slt.s32 s7, $0x1;
	p5 =	sne.s32 s22, $0x0  }
0x59: {  	s3 =	sshrl.u32 s23, $0x19;
	p0 =	por !p6, !p5  }
0x5a: {  	s0 =	sadd.s32 s3, s7;
	s3 =	simm.s32 $0x1;
	p0 =	por !p0, !p0  }
0x5b: {  	s0 =	sshrl.u32 s0, $0x7;
	s3 =	simm.s32 @!p0 $0x0  }
0x5c: {  	s0 =	ssub.s32 s0, s3  }
0x5d: {  	s0 =	sshll.u32 s0, $0x7  }
0x5e: {  	s0 =	sand.u32 $0x1FFFFF80, s0  }
0x5f: {  	s24 =	simm.s32 $0x9400;
	s0 =	sadd.s32 s2, s0  }
0x60: {  	[tilespmem:s24], [sflag:$0x2] =	stream.strided.gather [hbm4b:s0+s20], $0x1000, s19, s20, $0x38;
	[tilespmem:$0x18800] =	vst v63  }
0x61: {  	v3 =	vld [tilespmem:$0x0];
	_ =	sdelay $0x4  }
0x62: {  	v3 =	vsel vm2, $0x0, v3  }
0x63: {  	(xrf0) =	vadd.scan.msk.s32 $0xffff, v3;
	_ =	sdelay $0x5  }
0x64: {  	v3, _, _ =	vpop (xrf0)  }
0x65: {  	(v2sf) =	vpush v3, $0xF;
	_ =	sdelay $0xe  }
0x66: {  	s5 =	spop (v2sf)  }
0x67: {  	s6 =	sand.u32 $0x7F, s5  }
0x68: {  	s7 =	sshra.s32 s5, $0x1F;
	p2 =	slt.s32 s5, $0x1;
	p1 =	sne.s32 s6, $0x0  }
0x69: {  	s3 =	sshrl.u32 s7, $0x19;
	p0 =	por !p2, !p1  }
0x6a: {  	s0 =	sadd.s32 s3, s5;
	s3 =	simm.s32 $0x1;
	p0 =	por !p0, !p0  }
0x6b: {  	s0 =	sshrl.u32 s0, $0x7;
	s3 =	simm.s32 @!p0 $0x0  }
0x6c: {  	s0 =	ssub.s32 s0, s3  }
0x6d: {  	s0 =	sshll.u32 s0, $0x7  }
0x6e: {  	s0 =	sand.u32 $0x1FFFFF80, s0  }
0x6f: {  	s22 =	simm.s32 $0x2400;
	s0 =	sadd.s32 s1, s0  }
0x70: {  	[tilespmem:s22], [sflag:$0x1] =	stream.strided.gather [hbm4b:s0+s20], $0x1000, s19, s20, $0x38;
	[tilespmem:$0x18800] =	vst v63  }
0x71: {  	v3 =	vld [tilespmem:$0x200];
	_ =	sdelay $0x4  }
0x72: {  	v3 =	vsel vm2, $0x0, v3  }
0x73: {  	(xrf0) =	vadd.scan.msk.s32 $0xffff, v3;
	_ =	sdelay $0x5  }
0x74: {  	v3, _, _ =	vpop (xrf0)  }
0x75: {  	(v2sf) =	vpush v3, $0xF;
	_ =	sdelay $0xe  }
0x76: {  	s23 =	spop (v2sf)  }
0x77: {  	s24 =	sand.u32 $0x7F, s23  }
0x78: {  	s5 =	sshra.s32 s23, $0x1F;
	p4 =	slt.s32 s23, $0x1;
	p3 =	sne.s32 s24, $0x0  }
0x79: {  	s3 =	sshrl.u32 s5, $0x19;
	p0 =	por !p4, !p3  }
0x7a: {  	s0 =	sadd.s32 s3, s23;
	s3 =	simm.s32 $0x1;
	p0 =	por !p0, !p0  }
0x7b: {  	s0 =	sshrl.u32 s0, $0x7;
	s3 =	simm.s32 @!p0 $0x0  }
0x7c: {  	s0 =	ssub.s32 s0, s3  }
0x7d: {  	s0 =	sshll.u32 s0, $0x7  }
0x7e: {  	s0 =	sand.u32 $0x1FFFFF80, s0  }
0x7f: {  	s6 =	simm.s32 $0xA400;
	s0 =	sadd.s32 s2, s0  }
0x80: {  	[tilespmem:s6], [sflag:$0x2] =	stream.strided.gather [hbm4b:s0+s20], $0x1000, s19, s20, $0x38;
	[tilespmem:$0x18800] =	vst v63  }
0x81: {  	v3 =	vld [tilespmem:$0x0];
	_ =	sdelay $0x4  }
0x82: {  	v3 =	vsel vm3, $0x0, v3  }
0x83: {  	(xrf0) =	vadd.scan.msk.s32 $0xffff, v3;
	_ =	sdelay $0x5  }
0x84: {  	v3, _, _ =	vpop (xrf0)  }
0x85: {  	(v2sf) =	vpush v3, $0xF;
	_ =	sdelay $0xe  }
0x86: {  	s7 =	spop (v2sf)  }
0x87: {  	s22 =	sand.u32 $0x7F, s7  }
0x88: {  	s23 =	sshra.s32 s7, $0x1F;
	p6 =	slt.s32 s7, $0x1;
	p5 =	sne.s32 s22, $0x0  }
0x89: {  	s3 =	sshrl.u32 s23, $0x19;
	p0 =	por !p6, !p5  }
0x8a: {  	s0 =	sadd.s32 s3, s7;
	s3 =	simm.s32 $0x1;
	p0 =	por !p0, !p0  }
0x8b: {  	s0 =	sshrl.u32 s0, $0x7;
	s3 =	simm.s32 @!p0 $0x0  }
0x8c: {  	s0 =	ssub.s32 s0, s3  }
0x8d: {  	s0 =	sshll.u32 s0, $0x7  }
0x8e: {  	s0 =	sand.u32 $0x1FFFFF80, s0  }
0x8f: {  	s24 =	simm.s32 $0x3400;
	s0 =	sadd.s32 s1, s0  }
0x90: {  	[tilespmem:s24], [sflag:$0x1] =	stream.strided.gather [hbm4b:s0+s20], $0x1000, s19, s20, $0x38;
	[tilespmem:$0x18800] =	vst v63  }
0x91: {  	v3 =	vld [tilespmem:$0x200];
	_ =	sdelay $0x4  }
0x92: {  	v3 =	vsel vm3, $0x0, v3  }
0x93: {  	(xrf0) =	vadd.scan.msk.s32 $0xffff, v3;
	_ =	sdelay $0x5  }
0x94: {  	v3, _, _ =	vpop (xrf0)  }
0x95: {  	(v2sf) =	vpush v3, $0xF;
	_ =	sdelay $0xe  }
0x96: {  	s5 =	spop (v2sf)  }
0x97: {  	s6 =	sand.u32 $0x7F, s5  }
0x98: {  	s7 =	sshra.s32 s5, $0x1F;
	p2 =	slt.s32 s5, $0x1;
	p1 =	sne.s32 s6, $0x0  }
0x99: {  	s3 =	sshrl.u32 s7, $0x19;
	p0 =	por !p2, !p1  }
0x9a: {  	s0 =	sadd.s32 s3, s5;
	s3 =	simm.s32 $0x1;
	p0 =	por !p0, !p0  }
0x9b: {  	s0 =	sshrl.u32 s0, $0x7;
	s3 =	simm.s32 @!p0 $0x0  }
0x9c: {  	s0 =	ssub.s32 s0, s3  }
0x9d: {  	s0 =	sshll.u32 s0, $0x7  }
0x9e: {  	s0 =	sand.u32 $0x1FFFFF80, s0  }
0x9f: {  	s22 =	simm.s32 $0xB400;
	s0 =	sadd.s32 s2, s0  }
0xa0: {  	[tilespmem:s22], [sflag:$0x2] =	stream.strided.gather [hbm4b:s0+s20], $0x1000, s19, s20, $0x38;
	[tilespmem:$0x18800] =	vst v63  }
0xa1: {  	v3 =	vld [tilespmem:$0x0];
	_ =	sdelay $0x4  }
0xa2: {  	v3 =	vsel vm4, $0x0, v3  }
0xa3: {  	(xrf0) =	vadd.scan.msk.s32 $0xffff, v3;
	_ =	sdelay $0x5  }
0xa4: {  	v3, _, _ =	vpop (xrf0)  }
0xa5: {  	(v2sf) =	vpush v3, $0xF;
	_ =	sdelay $0xe  }
0xa6: {  	s23 =	spop (v2sf)  }
0xa7: {  	s24 =	sand.u32 $0x7F, s23  }
0xa8: {  	s5 =	sshra.s32 s23, $0x1F;
	p4 =	slt.s32 s23, $0x1;
	p3 =	sne.s32 s24, $0x0  }
0xa9: {  	s3 =	sshrl.u32 s5, $0x19;
	p0 =	por !p4, !p3  }
0xaa: {  	s0 =	sadd.s32 s3, s23;
	s3 =	simm.s32 $0x1;
	p0 =	por !p0, !p0  }
0xab: {  	s0 =	sshrl.u32 s0, $0x7;
	s3 =	simm.s32 @!p0 $0x0  }
0xac: {  	s0 =	ssub.s32 s0, s3  }
0xad: {  	s0 =	sshll.u32 s0, $0x7  }
0xae: {  	s0 =	sand.u32 $0x1FFFFF80, s0  }
0xaf: {  	s6 =	simm.s32 $0x4400;
	s0 =	sadd.s32 s1, s0  }
0xb0: {  	[tilespmem:s6], [sflag:$0x1] =	stream.strided.gather [hbm4b:s0+s20], $0x1000, s19, s20, $0x38;
	[tilespmem:$0x18800] =	vst v63  }
0xb1: {  	v3 =	vld [tilespmem:$0x200];
	_ =	sdelay $0x4  }
0xb2: {  	v3 =	vsel vm4, $0x0, v3  }
0xb3: {  	(xrf0) =	vadd.scan.msk.s32 $0xffff, v3;
	_ =	sdelay $0x5  }
0xb4: {  	v3, _, _ =	vpop (xrf0)  }
0xb5: {  	(v2sf) =	vpush v3, $0xF;
	_ =	sdelay $0xe  }
0xb6: {  	s7 =	spop (v2sf)  }
0xb7: {  	s22 =	sand.u32 $0x7F, s7  }
0xb8: {  	s23 =	sshra.s32 s7, $0x1F;
	p6 =	slt.s32 s7, $0x1;
	p5 =	sne.s32 s22, $0x0  }
0xb9: {  	s3 =	sshrl.u32 s23, $0x19;
	p0 =	por !p6, !p5  }
0xba: {  	s0 =	sadd.s32 s3, s7;
	s3 =	simm.s32 $0x1;
	p0 =	por !p0, !p0  }
0xbb: {  	s0 =	sshrl.u32 s0, $0x7;
	s3 =	simm.s32 @!p0 $0x0  }
0xbc: {  	s0 =	ssub.s32 s0, s3  }
0xbd: {  	s0 =	sshll.u32 s0, $0x7  }
0xbe: {  	s0 =	sand.u32 $0x1FFFFF80, s0  }
0xbf: {  	s24 =	simm.s32 $0xC400;
	s0 =	sadd.s32 s2, s0  }
0xc0: {  	[tilespmem:s24], [sflag:$0x2] =	stream.strided.gather [hbm4b:s0+s20], $0x1000, s19, s20, $0x38;
	[tilespmem:$0x18800] =	vst v63  }
0xc1: {  	v3 =	vld [tilespmem:$0x0];
	_ =	sdelay $0x4  }
0xc2: {  	v3 =	vsel vm5, $0x0, v3  }
0xc3: {  	(xrf0) =	vadd.scan.msk.s32 $0xffff, v3;
	_ =	sdelay $0x5  }
0xc4: {  	v3, _, _ =	vpop (xrf0)  }
0xc5: {  	(v2sf) =	vpush v3, $0xF;
	_ =	sdelay $0xe  }
0xc6: {  	s5 =	spop (v2sf)  }
0xc7: {  	s6 =	sand.u32 $0x7F, s5  }
0xc8: {  	s7 =	sshra.s32 s5, $0x1F;
	p2 =	slt.s32 s5, $0x1;
	p1 =	sne.s32 s6, $0x0  }
0xc9: {  	s3 =	sshrl.u32 s7, $0x19;
	p0 =	por !p2, !p1  }
0xca: {  	s0 =	sadd.s32 s3, s5;
	s3 =	simm.s32 $0x1;
	p0 =	por !p0, !p0  }
0xcb: {  	s0 =	sshrl.u32 s0, $0x7;
	s3 =	simm.s32 @!p0 $0x0  }
0xcc: {  	s0 =	ssub.s32 s0, s3  }
0xcd: {  	s0 =	sshll.u32 s0, $0x7  }
0xce: {  	s0 =	sand.u32 $0x1FFFFF80, s0  }
0xcf: {  	s22 =	simm.s32 $0x5400;
	s0 =	sadd.s32 s1, s0  }
0xd0: {  	[tilespmem:s22], [sflag:$0x1] =	stream.strided.gather [hbm4b:s0+s20], $0x1000, s19, s20, $0x38;
	[tilespmem:$0x18800] =	vst v63  }
0xd1: {  	v3 =	vld [tilespmem:$0x200];
	_ =	sdelay $0x4  }
0xd2: {  	v3 =	vsel vm5, $0x0, v3  }
0xd3: {  	(xrf0) =	vadd.scan.msk.s32 $0xffff, v3;
	_ =	sdelay $0x5  }
0xd4: {  	v3, _, _ =	vpop (xrf0)  }
0xd5: {  	(v2sf) =	vpush v3, $0xF;
	_ =	sdelay $0xe  }
0xd6: {  	s23 =	spop (v2sf)  }
0xd7: {  	s24 =	sand.u32 $0x7F, s23  }
0xd8: {  	s5 =	sshra.s32 s23, $0x1F;
	p4 =	slt.s32 s23, $0x1;
	p3 =	sne.s32 s24, $0x0  }
0xd9: {  	s3 =	sshrl.u32 s5, $0x19;
	p0 =	por !p4, !p3  }
0xda: {  	s0 =	sadd.s32 s3, s23;
	s3 =	simm.s32 $0x1;
	p0 =	por !p0, !p0  }
0xdb: {  	s0 =	sshrl.u32 s0, $0x7;
	s3 =	simm.s32 @!p0 $0x0  }
0xdc: {  	s0 =	ssub.s32 s0, s3  }
0xdd: {  	s0 =	sshll.u32 s0, $0x7  }
0xde: {  	s0 =	sand.u32 $0x1FFFFF80, s0  }
0xdf: {  	s6 =	simm.s32 $0xD400;
	s0 =	sadd.s32 s2, s0  }
0xe0: {  	[tilespmem:s6], [sflag:$0x2] =	stream.strided.gather [hbm4b:s0+s20], $0x1000, s19, s20, $0x38;
	[tilespmem:$0x18800] =	vst v63  }
0xe1: {  	v3 =	vld [tilespmem:$0x0];
	_ =	sdelay $0x4  }
0xe2: {  	v3 =	vsel vm6, $0x0, v3  }
0xe3: {  	(xrf0) =	vadd.scan.msk.s32 $0xffff, v3;
	_ =	sdelay $0x5  }
0xe4: {  	v3, _, _ =	vpop (xrf0)  }
0xe5: {  	(v2sf) =	vpush v3, $0xF;
	_ =	sdelay $0xe  }
0xe6: {  	s7 =	spop (v2sf)  }
0xe7: {  	s22 =	sand.u32 $0x7F, s7  }
0xe8: {  	s23 =	sshra.s32 s7, $0x1F;
	p6 =	slt.s32 s7, $0x1;
	p5 =	sne.s32 s22, $0x0  }
0xe9: {  	s3 =	sshrl.u32 s23, $0x19;
	p0 =	por !p6, !p5  }
0xea: {  	s0 =	sadd.s32 s3, s7;
	s3 =	simm.s32 $0x1;
	p0 =	por !p0, !p0  }
0xeb: {  	s0 =	sshrl.u32 s0, $0x7;
	s3 =	simm.s32 @!p0 $0x0  }
0xec: {  	s0 =	ssub.s32 s0, s3  }
0xed: {  	s0 =	sshll.u32 s0, $0x7  }
0xee: {  	s0 =	sand.u32 $0x1FFFFF80, s0  }
0xef: {  	s24 =	simm.s32 $0x6400;
	s0 =	sadd.s32 s1, s0  }
0xf0: {  	[tilespmem:s24], [sflag:$0x1] =	stream.strided.gather [hbm4b:s0+s20], $0x1000, s19, s20, $0x38;
	[tilespmem:$0x18800] =	vst v63  }
0xf1: {  	v3 =	vld [tilespmem:$0x200];
	_ =	sdelay $0x4  }
0xf2: {  	v3 =	vsel vm6, $0x0, v3  }
0xf3: {  	(xrf0) =	vadd.scan.msk.s32 $0xffff, v3;
	_ =	sdelay $0x5  }
0xf4: {  	v3, _, _ =	vpop (xrf0)  }
0xf5: {  	(v2sf) =	vpush v3, $0xF;
	_ =	sdelay $0xe  }
0xf6: {  	s5 =	spop (v2sf)  }
0xf7: {  	s6 =	sand.u32 $0x7F, s5  }
0xf8: {  	s7 =	sshra.s32 s5, $0x1F;
	p2 =	slt.s32 s5, $0x1;
	p1 =	sne.s32 s6, $0x0  }
0xf9: {  	s3 =	sshrl.u32 s7, $0x19;
	p0 =	por !p2, !p1  }
0xfa: {  	s0 =	sadd.s32 s3, s5;
	s3 =	simm.s32 $0x1;
	p0 =	por !p0, !p0  }
0xfb: {  	s0 =	sshrl.u32 s0, $0x7;
	s3 =	simm.s32 @!p0 $0x0  }
0xfc: {  	s0 =	ssub.s32 s0, s3  }
0xfd: {  	s0 =	sshll.u32 s0, $0x7  }
0xfe: {  	s0 =	sand.u32 $0x1FFFFF80, s0  }
0xff: {  	s22 =	simm.s32 $0xE400;
	s0 =	sadd.s32 s2, s0  }
0x100: {  	[tilespmem:s22], [sflag:$0x2] =	stream.strided.gather [hbm4b:s0+s20], $0x1000, s19, s20, $0x38;
	[tilespmem:$0x18800] =	vst v63  }
0x101: {  	v3 =	vld [tilespmem:$0x0];
	_ =	sdelay $0x4  }
0x102: {  	v3 =	vsel vm7, $0x0, v3  }
0x103: {  	(xrf0) =	vadd.scan.msk.s32 $0xffff, v3;
	_ =	sdelay $0x5  }
0x104: {  	v3, _, _ =	vpop (xrf0)  }
0x105: {  	(v2sf) =	vpush v3, $0xF;
	_ =	sdelay $0xe  }
0x106: {  	s23 =	spop (v2sf)  }
0x107: {  	s24 =	sand.u32 $0x7F, s23  }
0x108: {  	s5 =	sshra.s32 s23, $0x1F;
	p4 =	slt.s32 s23, $0x1;
	p3 =	sne.s32 s24, $0x0  }
0x109: {  	s3 =	sshrl.u32 s5, $0x19;
	p0 =	por !p4, !p3  }
0x10a: {  	s0 =	sadd.s32 s3, s23;
	s3 =	simm.s32 $0x1;
	p0 =	por !p0, !p0  }
0x10b: {  	s0 =	sshrl.u32 s0, $0x7;
	s3 =	simm.s32 @!p0 $0x0  }
0x10c: {  	s0 =	ssub.s32 s0, s3  }
0x10d: {  	s0 =	sshll.u32 s0, $0x7  }
0x10e: {  	s0 =	sand.u32 $0x1FFFFF80, s0  }
0x10f: {  	s6 =	simm.s32 $0x7400;
	s0 =	sadd.s32 s1, s0  }
0x110: {  	[tilespmem:s6], [sflag:$0x1] =	stream.strided.gather [hbm4b:s0+s20], $0x1000, s19, s20, $0x38;
	[tilespmem:$0x18800] =	vst v63  }
0x111: {  	v3 =	vld [tilespmem:$0x200];
	_ =	sdelay $0x4  }
0x112: {  	v3 =	vsel vm7, $0x0, v3  }
0x113: {  	(xrf0) =	vadd.scan.msk.s32 $0xffff, v3;
	_ =	sdelay $0x5  }
0x114: {  	v3, _, _ =	vpop (xrf0)  }
0x115: {  	(v2sf) =	vpush v3, $0xF;
	_ =	sdelay $0xe  }
0x116: {  	s7 =	spop (v2sf)  }
0x117: {  	s22 =	sand.u32 $0x7F, s7  }
0x118: {  	s23 =	sshra.s32 s7, $0x1F;
	p6 =	slt.s32 s7, $0x1;
	p5 =	sne.s32 s22, $0x0  }
0x119: {  	s3 =	sshrl.u32 s23, $0x19;
	p0 =	por !p6, !p5  }
0x11a: {  	s0 =	sadd.s32 s3, s7;
	s3 =	simm.s32 $0x1;
	p0 =	por !p0, !p0  }
0x11b: {  	s0 =	sshrl.u32 s0, $0x7;
	s3 =	simm.s32 @!p0 $0x0  }
0x11c: {  	s0 =	ssub.s32 s0, s3  }
0x11d: {  	s0 =	sshll.u32 s0, $0x7  }
0x11e: {  	s0 =	sand.u32 $0x1FFFFF80, s0  }
0x11f: {  	s24 =	simm.s32 $0xF400;
	s0 =	sadd.s32 s2, s0  }
0x120: {  	[tilespmem:s24], [sflag:$0x2] =	stream.strided.gather [hbm4b:s0+s20], $0x1000, s19, s20, $0x38;
	[tilespmem:$0x18800] =	vst v63  }
0x121: {  	s3 =	simm.s32 $0x0;
	s0 =	simm.s32 $0x0  }
.LBB2_2:
0x122: {  	_ =	swait.ge [sflag:s18], $0x1000  }
0x123: {  	[sflag:s18] =	ssyncset.done $0x0  }
0x124: {  	s22 =	sand.u32 $0x1F0, s3;
	[sflag:s18] =	ssyncadd.s32 $0xFFFFF000  }
0x125: {  	v3 =	vld [tilespmem:s22+$0x0];
	_ =	sdelay $0x1  }
0x126: {  	s23 =	sand.u32 $0xF, s3  }
0x127: {  	v4 =	vmov s23  }
0x128: {  	vm8 =	veq.s32 v4, v0  }
0x129: {  	v3 =	vnsel vm8, $0x0, v3  }
0x12a: {  	(xrf0) =	vadd.scan.msk.s32 $0xffff, v3;
	_ =	sdelay $0x5  }
0x12b: {  	v3, _, _ =	vpop (xrf0)  }
0x12c: {  	(v2sf) =	vpush v3, $0xF;
	_ =	sdelay $0xe  }
0x12d: {  	s6 =	spop (v2sf)  }
0x12e: {  	s24 =	sshra.s32 s6, $0x1F  }
0x12f: {  	s24 =	sshrl.u32 s24, $0x19  }
0x130: {  	s24 =	sadd.s32 s24, s6  }
0x131: {  	s24 =	sand.u32 $0xFFFFFF80, s24  }
0x132: {  	s5 =	sand.u32 $0x7, s3;
	s23 =	ssub.s32 s6, s24  }
0x133: {  	s5 =	sshll.u32 s5, $0xC;
	v3 =	vmov s23  }
0x134: {  	v5 =	vor.u32 s5, v1;
	v61 =	vand.u32 $0xFFFFFF80, v3  }
0x135: {  	v3 =	vand.u32 $0x7F, v3;
	v6 =	vadd.s32 v5, v61  }
0x136: {  	v7 =	vmov s3;
	s7 =	sshll.u32 s3, $0x5;
	v6 =	vor.u32 v3, v6  }
0x137: {  	v7 =	vand.u32 $0x7F, v7;
	s23 =	sand.u32 $0xFFFFF000, s7  }
0x138: {  	v7 =	vor.u32 s23, v7  }
0x139: {  	v7 =	vbroadcast v7, $0x0  }
0x13a: {  	v8 =	vor.u32 s5, v2  }
0x13b: {  	v4 =	vadd.s32 v8, v61;
	v9 =	vor.u32 v1, v7;
	v6 =	vld.idx.msk [tilespmem:v6+s20+$0x0], $0xffff  }
0x13c: {  	v3 =	vor.u32 v3, v4;
	_ =	sdelay $0x3  }
0x13d: {  	[tilespmem:v9+s25+$0x0] =	vst.idx.msk $0xffff, v6  }
0x13e: {  	v62 =	vor.u32 v2, v7;
	v3 =	vld.idx.msk [tilespmem:v3+s20+$0x0], $0xffff;
	_ =	sdelay $0x4  }
0x13f: {  	[tilespmem:v62+s25+$0x0] =	vst.idx.msk $0xffff, v3  }
0x140: {  	_ =	swait.ge [sflag:s26], $0x1000  }
0x141: {  	[sflag:s26] =	ssyncset.done $0x0  }
0x142: {  	[sflag:s26] =	ssyncadd.s32 $0xFFFFF000  }
0x143: {  	v3 =	vld [tilespmem:s22+$0x200];
	_ =	sdelay $0x4  }
0x144: {  	v3 =	vnsel vm8, $0x0, v3  }
0x145: {  	(xrf0) =	vadd.scan.msk.s32 $0xffff, v3;
	_ =	sdelay $0x5  }
0x146: {  	v3, _, _ =	vpop (xrf0)  }
0x147: {  	(v2sf) =	vpush v3, $0xF;
	_ =	sdelay $0xe  }
0x148: {  	s23 =	spop (v2sf)  }
0x149: {  	s24 =	sshra.s32 s23, $0x1F  }
0x14a: {  	s22 =	sshrl.u32 s24, $0x19  }
0x14b: {  	s22 =	sadd.s32 s22, s23  }
0x14c: {  	s22 =	sand.u32 $0xFFFFFF80, s22  }
0x14d: {  	s5 =	ssub.s32 s23, s22  }
0x14e: {  	v3 =	vmov s5  }
0x14f: {  	v63 =	vand.u32 $0xFFFFFF80, v3  }
0x150: {  	v3 =	vand.u32 $0x7F, v3;
	v5 =	vadd.s32 v5, v63  }
0x151: {  	v5 =	vor.u32 v3, v5;
	_ =	sdelay $0x4  }
0x152: {  	v6 =	vadd.s32 v8, v63;
	v5 =	vld.idx.msk [tilespmem:v5+s21+$0x0], $0xffff  }
0x153: {  	v3 =	vor.u32 v3, v6;
	_ =	sdelay $0x3  }
0x154: {  	[tilespmem:v9+s28+$0x0] =	vst.idx.msk $0xffff, v5  }
0x155: {  	v3 =	vld.idx.msk [tilespmem:v3+s21+$0x0], $0xffff;
	_ =	sdelay $0x2  }
0x156: {  	p0 =	sgt.u32 s3, $0x1F7  }
0x157: {  	s5 =	sadd.s32 @!p0 $0x8, s3  }
0x158: {  	s22 =	sand.u32 @!p0 $0x3F0, s5;
	[tilespmem:v62+s28+$0x0] =	vst.idx.msk $0xffff, v3  }
0x159: {  	v3 =	vld @!p0 [tilespmem:s22+$0x0];
	_ =	sdelay $0x1  }
0x15a: {  	s5 =	sand.u32 @!p0 $0xF, s5  }
0x15b: {  	v4 =	vmov @!p0 s5;
	v5 =	vlaneseq.u32 @!p0  }
0x15c: {  	vm8 =	veq.s32 @!p0 v4, v5  }
0x15d: {  	v3 =	vnsel @!p0 vm8, $0x0, v3  }
0x15e: {  	(xrf0) =	vadd.scan.msk.s32 @!p0 $0xffff, v3;
	_ =	sdelay $0x5  }
0x15f: {  	v3, _, _ =	vpop @!p0 (xrf0)  }
0x160: {  	(v2sf) =	vpush @!p0 v3, $0xF;
	_ =	sdelay $0xe  }
0x161: {  	s5 =	spop @!p0 (v2sf)  }
0x162: {  	s23 =	sand.u32 @!p0 $0x7F, s5  }
0x163: {  	p1 =	slt.s32 @!p0 s5, $0x1;
	p2 =	sne.s32 @!p0 s23, $0x0  }
0x164: {  	s23 =	sshra.s32 @!p0 s5, $0x1F;
	p1 =	por @!p0 !p1, !p2  }
0x165: {  	s23 =	sshrl.u32 @!p0 s23, $0x19;
	p1 =	por @!p0 !p1, !p1  }
0x166: {  	s5 =	sadd.s32 @!p0 s23, s5;
	s23 =	simm.s32 @!p0 $0x1;
	p1 =	por !p1, p0  }
0x167: {  	s5 =	sshrl.u32 @!p0 s5, $0x7;
	s23 =	simm.s32 @p1 $0x0  }
0x168: {  	s5 =	ssub.s32 @!p0 s5, s23  }
0x169: {  	s5 =	sshll.u32 @!p0 s5, $0x7  }
0x16a: {  	s6 =	simm.s32 @!p0 $0x400;
	s23 =	sand.u32 @!p0 $0x7000, s0;
	s5 =	sand.u32 @!p0 $0x1FFFFF80, s5  }
0x16b: {  	s7 =	simm.s32 @!p0 $0x7A1400;
	s24 =	sor.u32 @!p0 $0x400, s23;
	s5 =	sadd.s32 @!p0 s1, s5  }
0x16c: {  	[tilespmem:s24], [sflag:$0x1] =	stream.strided.gather @!p0 [hbm4b:s5+s6], $0x1000, s7, s6, $0x38;
	[tilespmem:$0x18800] =	vst v63  }
0x16d: {  	v3 =	vld @!p0 [tilespmem:s22+$0x200];
	_ =	sdelay $0x4  }
0x16e: {  	v3 =	vnsel @!p0 vm8, $0x0, v3  }
0x16f: {  	(xrf0) =	vadd.scan.msk.s32 @!p0 $0xffff, v3;
	_ =	sdelay $0x5  }
0x170: {  	v3, _, _ =	vpop @!p0 (xrf0)  }
0x171: {  	(v2sf) =	vpush @!p0 v3, $0xF;
	_ =	sdelay $0xe  }
0x172: {  	s5 =	spop @!p0 (v2sf)  }
0x173: {  	s22 =	sand.u32 @!p0 $0x7F, s5  }
0x174: {  	p1 =	slt.s32 @!p0 s5, $0x1;
	p2 =	sne.s32 @!p0 s22, $0x0  }
0x175: {  	s22 =	sshra.s32 @!p0 s5, $0x1F;
	p1 =	por @!p0 !p1, !p2  }
0x176: {  	s22 =	sshrl.u32 @!p0 s22, $0x19;
	p1 =	por @!p0 !p1, !p1  }
0x177: {  	s24 =	simm.s32 @!p0 $0x1;
	s5 =	sadd.s32 @!p0 s22, s5;
	p1 =	por !p1, p0  }
0x178: {  	s5 =	sshrl.u32 @!p0 s5, $0x7;
	s24 =	simm.s32 @p1 $0x0  }
0x179: {  	s5 =	ssub.s32 @!p0 s5, s24  }
0x17a: {  	s5 =	sshll.u32 @!p0 s5, $0x7  }
0x17b: {  	s5 =	sand.u32 @!p0 $0x1FFFFF80, s5  }
0x17c: {  	s3 =	sadd.s32 $0x1, s3;
	s22 =	sor.u32 @!p0 $0x8400, s23;
	s5 =	sadd.s32 @!p0 s2, s5  }
0x17d: {  	[tilespmem:s22], [sflag:$0x2] =	stream.strided.gather @!p0 [hbm4b:s5+s6], $0x1000, s7, s6, $0x38;
	[tilespmem:$0x18800] =	vst v63  }
0x17e: {  	p0 =	sne.s32 s3, $0x200  }
.Ltmp0:
0x17f: {  	_ = 	snop;
	(pc) =	sbr.rel @p0 .LBB2_2-.Ltmp0, $2  }
0x180: {  	_ =	sdelay $0x2  }
0x181: {  	s0 =	sadd.s32 $0x1000, s0  }
0x182: {  	[hbm4b:s9+s4] =	stream.linear.scatter [tilespmem:s25], [sflag:$0x5], $0x4000, $0x38;
	[tilespmem:$0x18800] =	vst v63  }
0x183: {  	_ =	swait.ge [sflag:s14], $0x4000  }
0x184: {  	[sflag:s14] =	ssyncset.done $0x0  }
0x185: {  	[sflag:s14] =	ssyncadd.s32 $0xFFFFC000  }
0x186: {  	[hbm4b:s10+s4] =	stream.linear.scatter [tilespmem:s28], [sflag:$0x5], $0x4000, $0x38;
	[tilespmem:$0x18800] =	vst v63  }
0x187: {  	_ =	swait.ge [sflag:s14], $0x4000  }
0x188: {  	[sflag:s14] =	ssyncset.done $0x0  }
0x189: {  	[sflag:s14] =	ssyncadd.s32 $0xFFFFC000  }
0x18a: {  	_ =	swait.ge [sflag:s29], $0x200  }
0x18b: {  	[sflag:s29] =	ssyncset.done $0x0  }
0x18c: {  	[sflag:s29] =	ssyncadd.s32 $0xFFFFFE00  }
0x18d: {  	_ =	swait.ge [sflag:s30], $0x200  }
0x18e: {  	[sflag:s30] =	ssyncset.done $0x0  }
0x18f: {  	[sflag:s30] =	ssyncadd.s32 $0xFFFFFE00  }
0x190: {  	[hbm4b:s11+s4] =	stream.linear.scatter [tilespmem:s16], [sflag:$0x5], $0x200, $0x38;
	[tilespmem:$0x18800] =	vst v63  }
0x191: {  	s31 =	sadd.s32 $0x1, s31;
	_ =	swait.ge [sflag:s14], $0x200  }
0x192: {  	p0 =	sne.s32 s31, s13;
	[sflag:s14] =	ssyncset.done $0x0  }
.Ltmp1:
0x193: {  	[sflag:s14] =	ssyncadd.s32 $0xFFFFFE00;
	(pc) =	sbr.rel @p0 .LBB2_1-.Ltmp1, $4  }
0x194: {  	[hbm4b:s12+s4] =	stream.linear.scatter [tilespmem:s17], [sflag:$0x5], $0x200, $0x38;
	[tilespmem:$0x18800] =	vst v63  }
0x195: {  	_ =	swait.ge [sflag:s14], $0x200  }
0x196: {  	[sflag:s14] =	ssyncset.done $0x0  }
0x197: {  	[sflag:s14] =	ssyncadd.s32 $0xFFFFFE00  }
0x198: {  	_ =	sfence.sel $0x180000  }
0x199: {  	[bflag:$0x0] =	sbarrier.arrive $0xFFFF  }
0x19a: {  	_ =	strace $0x90000047  }
0x19b: {  	s0 =	stileid.u32;
	[bflag:$0x2] =	sbarrier.arrive $0xFFFF  }
0x19c: {  	p0 =	sne.s32 s0, $0x0;
	s0 =	rddreg [dreg:$0x7]  }
0x19d: {  	s0 =	sadd.s32 @!p0 $0x100000, s0  }
0x19e: {  	[sflag:s0] =	ssyncadd.tile.s32 @!p0 $0x1;
	_ =	shalt  }
.Lfunc_end2:
_tile_overlayer_lowered:
.L_overlay_start_2:
0x19f: {  	(tag) =	ssettag $0x2  }
0x1a0: {  	s0 =	rddreg [dreg:$0x0];
	s2 =	stileid.u32  }
0x1a1: {  	s1 =	rddreg [dreg:$0x1];
	p0 =	sne.s32 s2, $0x0  }
0x1a2: {  	s3 =	rddreg [dreg:$0x2];
	[bflag:$0x3] =	sbarrier.arrive $0xFFFF;
	s2 =	simm.s32 @!p0 $0x1C05  }
0x1a3: {  	[timem:s3], [sflag:s2] =	dma.local @!p0 [hbm:s0], s1  }
0x1a4: {  	s0 =	simm.s32 @!p0 $0x5  }
0x1a5: {  	_ =	swait.ge @!p0 [sflag:s0], s1  }
0x1a6: {  	s1 =	ssub.s32 @!p0 $0x0, s1;
	[sflag:s0] =	ssyncset.done @!p0 $0x0  }
0x1a7: {  	[sflag:s0] =	ssyncadd.s32 @!p0 s1  }
0x1a8: {  	[bflag:$0x3] =	sbarrier.arrive $0xFFFF  }
0x1a9: {  	_ =	shalt  }

</sc_bundles>
